<compile_context>
chip_gen: v7x
topology: tpu7x:2x2x1
jax: 0.10.2.dev20260603
libtpu: 0.0.44.dev20260713+nightly
codegen_flags: <defaults>
</compile_context>

<pallas_src>
import functools

import jax
import jax.numpy as jnp
from jax import lax
from jax.experimental import pallas as pl
from jax.experimental.pallas import tpu as pltpu
from jax.experimental.pallas import tpu_sc as plsc

VOCAB = 1000
VPAD = 1024
B, T = 1024, 50
N = B * T
NC, NS = 2, 16
NW = NC * NS
NTR = VOCAB // 8
NPT = N // 128
WPT = 13
WCOLS = WPT * 128
PER_W = N // NW
NG = PER_W // 16


def _lse_body(table_ref, lse_ref):
    x = table_ref[...]
    m = jnp.max(x, axis=1, keepdims=True)
    s = jnp.sum(jnp.exp(x - m), axis=1, keepdims=True)
    lse_ref[...] = m + jnp.log(s)


def _row_lse(table):
    return pl.pallas_call(
        _lse_body,
        out_shape=jax.ShapeDtypeStruct((VOCAB, 1), jnp.float32),
    )(table)


def _fin_body(p_ref, loss_ref):
    loss_ref[...] = jnp.sum(p_ref[...], keepdims=True) * (1.0 / N)


def _finalize(partials):
    return pl.pallas_call(
        _fin_body,
        out_shape=jax.ShapeDtypeStruct((1, 1), jnp.float32),
    )(partials)


_mesh = plsc.VectorSubcoreMesh(core_axis_name="c", subcore_axis_name="s")


@functools.partial(
    pl.kernel,
    out_type=(
        jax.ShapeDtypeStruct((VOCAB, N), jnp.float32),
        jax.ShapeDtypeStruct((NW, 16), jnp.float32),
    ),
    mesh=_mesh,
    compiler_params=pltpu.CompilerParams(
        needs_layout_passes=False, use_tc_tiling_on_sc=True),
    scratch_types=(
        pltpu.VMEM((WPT, 128), jnp.int32),
        pltpu.VMEM((NG, 16), jnp.int32),
        pltpu.VMEM((NG, 16), jnp.int32),
        pltpu.VMEM((VOCAB,), jnp.float32),
        pltpu.VMEM((8000,), jnp.float32),
        pltpu.VMEM((8000,), jnp.float32),
        pltpu.VMEM((2, 8, WCOLS), jnp.float32),
        pltpu.VMEM((2, 16, 128), jnp.float32),
        pltpu.VMEM((16,), jnp.float32),
        pltpu.SemaphoreType.DMA,
        pltpu.SemaphoreType.DMA,
        pltpu.SemaphoreType.DMA,
        pltpu.SemaphoreType.DMA,
        pltpu.SemaphoreType.DMA,
        pltpu.SemaphoreType.DMA,
    ),
)
def _sc_gather(tabletf, table8, idxw3, idxn3, tgtn3, lse, out, partials,
               idx_v, idxn_v, tgtn_v, lse_v, slab0, slab1, blk2, vrow2,
               acc_v, ssem0, ssem1, osem0, osem1, nsem0, nsem1):
    wid = lax.axis_index("s") * NC + lax.axis_index("c")
    ct_lo = (25 * wid) // 2
    col0 = ct_lo * 128
    pltpu.sync_copy(idxw3.at[wid], idx_v)
    pltpu.sync_copy(idxn3.at[wid], idxn_v)
    pltpu.sync_copy(tgtn3.at[wid], tgtn_v)
    pltpu.sync_copy(lse, lse_v)
    acc_v[...] = jnp.zeros((16,), jnp.float32)

    iota16 = jnp.arange(16, dtype=jnp.int32)

    def slab_load(tr, b):
        sem = ssem0 if b == 0 else ssem1
        slab = slab0 if b == 0 else slab1
        pltpu.async_copy(tabletf.at[pl.ds(8000 * tr, 8000)], slab, sem)

    def slab_wait(b):
        sem = ssem0 if b == 0 else ssem1
        slab = slab0 if b == 0 else slab1
        pltpu.make_async_copy(tabletf.at[pl.ds(0, 8000)], slab, sem).wait()

    def blk_out(tr, b):
        sem = osem0 if b == 0 else osem1
        pltpu.async_copy(blk2.at[b],
                         out.at[pl.ds(8 * tr, 8), pl.ds(col0, WCOLS)], sem)

    def blk_wait(b):
        sem = osem0 if b == 0 else osem1
        pltpu.make_async_copy(blk2.at[b],
                              out.at[pl.ds(0, 8), pl.ds(col0, WCOLS)],
                              sem).wait()

    def nll_issue(g, b):
        sem = nsem0 if b == 0 else nsem1
        iv = idxn_v[g, :]
        tg = tgtn_v[g, :]
        fi = iv * 8 + lax.shift_right_logical(tg, 7)
        pltpu.async_copy(table8.at[fi], vrow2.at[b], sem)

    def nll_wait(b):
        sem = nsem0 if b == 0 else nsem1
        pltpu.make_async_copy(table8.at[pl.ds(0, 16)], vrow2.at[b],
                              sem).wait()

    def nll_compute(g, b):
        nll_wait(b)
        iv = idxn_v[g, :]
        tg = tgtn_v[g, :]
        lane = lax.bitwise_and(tg, jnp.int32(127))
        val = plsc.load_gather(vrow2.at[b], [iota16, lane])
        lsev = plsc.load_gather(lse_v, [iv])
        acc_v[...] = acc_v[...] + (lsev - val)

    def fill_block(b):
        slab = slab0 if b == 0 else slab1
        blk = blk2.at[b]

        @plsc.parallel_loop(0, WPT * 8, unroll=8)
        def tile_body(k):
            j = k // 8
            g = k % 8
            cols = idx_v[j, pl.ds(16 * g, 16)]
            for s in range(8):
                vals = plsc.load_gather(slab, [cols + (1000 * s)])
                blk[s, pl.ds(128 * j + 16 * g, 16)] = vals

    slab_load(0, 0)
    nll_issue(0, 0)

    def pair_body(i, carry):
        tr0 = 2 * i
        tr1 = tr0 + 1

        slab_wait(0)
        slab_load(tr1, 1)

        @pl.when(i > 0)
        def _():
            blk_wait(0)

        @pl.when(i < NG // 2)
        def _():
            nll_issue(2 * i + 1, 1)
            nll_compute(2 * i, 0)

        fill_block(0)
        blk_out(tr0, 0)

        slab_wait(1)
        slab_load(tr1 + 1, 0)

        @pl.when(i > 0)
        def _():
            blk_wait(1)

        @pl.when(i < NG // 2 - 1)
        def _():
            nll_issue(2 * i + 2, 0)

        @pl.when(i < NG // 2)
        def _():
            nll_compute(2 * i + 1, 1)

        fill_block(1)
        blk_out(tr1, 1)
        return carry

    lax.fori_loop(0, (NTR - 1) // 2, pair_body, 0)

    slab_wait(0)
    blk_wait(0)
    fill_block(0)
    blk_out(NTR - 1, 0)
    blk_wait(1)
    blk_wait(0)

    pltpu.sync_copy(acc_v, partials.at[wid])


def kernel(idx, targets, table):
    idxf = idx.reshape(N)
    idx2 = idxf.reshape(NPT, 128)
    ct_starts = [(25 * w) // 2 for w in range(NW)]
    idxw3 = jnp.stack([idx2[s:s + WPT] for s in ct_starts])
    idxn3 = idxf.reshape(NW, NG, 16)
    tgtn3 = targets.reshape(NW, NG, 16)
    lse = _row_lse(table).reshape(VOCAB)
    tabletf = table.T.reshape(-1)
    table_p = jnp.pad(table, ((0, 0), (0, VPAD - VOCAB)))
    table8 = table_p.reshape(VOCAB * 8, 128)
    out_t, partials = _sc_gather(tabletf, table8, idxw3, idxn3, tgtn3, lse)
    loss = _finalize(partials)[0, 0]
    return (out_t.T, loss)

# --- scband reference (transcript-rebuilt; emitter-appended) ---
"""Pipeline reference for scband-bigram-language-model-36155034698086 (READ-ONLY COPY).

The authoritative reference and input builder live on the scoring server;
editing this copy changes nothing except your own understanding.
"""

import jax, jax.numpy as jnp
import numpy as np

VOCAB = 1000
B, T = 1024, 50

def setup_inputs(seed: int = 0) -> dict:
    key = jax.random.key(seed)
    k1, k2, k3 = jax.random.split(key, 3)
    idx = jax.random.randint(k1, (B, T), 0, VOCAB)
    targets = jax.random.randint(k2, (B, T), 0, VOCAB)
    table = jax.random.normal(k3, (VOCAB, VOCAB), dtype=jnp.float32) * 0.02
    return {"idx": idx, "targets": targets, "table": table}

def reference(idx, targets, table):
    # logits = token_embedding_table(idx) -> gather rows of table
    logits = jnp.take(table, idx, axis=0)  # [B, T, C]
    Bb, Tt, C = logits.shape
    logits = logits.reshape(Bb * Tt, C)
    t = targets.reshape(Bb * Tt)
    # F.cross_entropy: mean of -log_softmax(logits)[i, t[i]]
    logp = jax.nn.log_softmax(logits, axis=-1)
    nll = -jnp.take_along_axis(logp, t[:, None], axis=1)[:, 0]
    loss = jnp.mean(nll)
    return (logits, loss)

if __name__ == "__main__":
    import jax
    _d = setup_inputs()
    print(jax.jit(kernel)(*tuple(_d.values())))

</pallas_src>

<mosaic_0001>
#map = affine_map<(d0, d1) -> (0)>
#map1 = affine_map<(d0, d1) -> (0, 0)>
#map2 = affine_map<(d0, d1) -> (0, 0, 0)>
module attributes {stable_mosaic.version = 14 : i64} {
  func.func @_sc_gather(%arg0: i32, %arg1: i32, %arg2: memref<1000000xf32, #tpu.memory_space<hbm>>, %arg3: memref<8000x128xf32, #tpu.memory_space<hbm>>, %arg4: memref<32x13x128xi32, #tpu.memory_space<hbm>>, %arg5: memref<32x100x16xi32, #tpu.memory_space<hbm>>, %arg6: memref<32x100x16xi32, #tpu.memory_space<hbm>>, %arg7: memref<1000xf32, #tpu.memory_space<hbm>>, %arg8: memref<1000x51200xf32, #tpu.memory_space<hbm>>, %arg9: memref<32x16xf32, #tpu.memory_space<hbm>>, %arg10: memref<13x128xi32, #tpu.memory_space<vmem>>, %arg11: memref<100x16xi32, #tpu.memory_space<vmem>>, %arg12: memref<100x16xi32, #tpu.memory_space<vmem>>, %arg13: memref<1000xf32, #tpu.memory_space<vmem>>, %arg14: memref<8000xf32, #tpu.memory_space<vmem>>, %arg15: memref<8000xf32, #tpu.memory_space<vmem>>, %arg16: memref<2x8x1664xf32, #tpu.memory_space<vmem>>, %arg17: memref<2x16x128xf32, #tpu.memory_space<vmem>>, %arg18: memref<16xf32, #tpu.memory_space<vmem>>, %arg19: memref<!tpu.dma_semaphore, #tpu.memory_space<semaphore_mem>>, %arg20: memref<!tpu.dma_semaphore, #tpu.memory_space<semaphore_mem>>, %arg21: memref<!tpu.dma_semaphore, #tpu.memory_space<semaphore_mem>>, %arg22: memref<!tpu.dma_semaphore, #tpu.memory_space<semaphore_mem>>, %arg23: memref<!tpu.dma_semaphore, #tpu.memory_space<semaphore_mem>>, %arg24: memref<!tpu.dma_semaphore, #tpu.memory_space<semaphore_mem>>) attributes {dimension_semantics = [#tpu.dimension_semantics<core_parallel>, #tpu.dimension_semantics<subcore_parallel>], iteration_bounds = array<i64: 2, 16>, scalar_prefetch = 0 : i64, scratch_operands = 15 : i64, tpu.core_type = #tpu.core_type<sc_vector_subcore>, window_params = [{transform_indices = #map}, {transform_indices = #map1}, {transform_indices = #map2}, {transform_indices = #map2}, {transform_indices = #map2}, {transform_indices = #map}, {transform_indices = #map1}, {transform_indices = #map1}]} {
    %mul3A = arith.constant 2 : i32
    %mul3A_0 = arith.muli %arg1, %mul3A : i32
    %add3A = arith.addi %mul3A_0, %arg0 : i32
    %mul3A_1 = arith.constant 25 : i32
    %mul3A_2 = arith.muli %mul3A_1, %add3A : i32
    %jit3A = arith.constant 2 : i32
    %div3A = arith.divsi %mul3A_2, %jit3A : i32
    %sign3A = arith.constant 0 : i32
    %sign3A_3 = arith.cmpi sgt, %mul3A_2, %sign3A : i32
    %sign3A_4 = arith.extui %sign3A_3 : i1 to i32
    %sign3A_5 = arith.constant 0 : i32
    %sign3A_6 = arith.cmpi slt, %mul3A_2, %sign3A_5 : i32
    %sign3A_7 = arith.extui %sign3A_6 : i1 to i32
    %sign3A_8 = arith.subi %sign3A_4, %sign3A_7 : i32
    %sign3A_9 = arith.constant 0 : i32
    %sign3A_10 = arith.cmpi sgt, %jit3A, %sign3A_9 : i32
    %sign3A_11 = arith.extui %sign3A_10 : i1 to i32
    %sign3A_12 = arith.constant 0 : i32
    %sign3A_13 = arith.cmpi slt, %jit3A, %sign3A_12 : i32
    %sign3A_14 = arith.extui %sign3A_13 : i1 to i32
    %sign3A_15 = arith.subi %sign3A_11, %sign3A_14 : i32
    %ne3A = arith.cmpi ne, %sign3A_8, %sign3A_15 : i32
    %rem3A = arith.remsi %mul3A_2, %jit3A : i32
    %ne3A_16 = arith.constant 0 : i32
    %ne3A_17 = arith.cmpi ne, %rem3A, %ne3A_16 : i32
    %and3A = arith.andi %ne3A, %ne3A_17 : i1
    %sub3A = arith.constant 1 : i32
    %sub3A_18 = arith.subi %div3A, %sub3A : i32
    %select_n3A = arith.select %and3A, %sub3A_18, %div3A : i32
    %mul3A_19 = arith.constant 128 : i32
    %mul3A_20 = arith.muli %select_n3A, %mul3A_19 : i32
    "tpu.region"() ({
      %run_scoped3A = tpu.sem_alloc : memref<!tpu.dma_semaphore, #tpu.memory_space<semaphore_mem>>
      %dma_start3A_110 = arith.constant 0 : i32
      %dma_start3A_111 = arith.constant 0 : i32
      %dma_start3A_112 = tpu.memref_slice %arg4[%add3A, %dma_start3A_110, %dma_start3A_111] : memref<32x13x128xi32, #tpu.memory_space<hbm>> -> memref<1x13x128xi32, #tpu.memory_space<hbm>>
      %dma_start3A_113 = tpu.memref_squeeze %dma_start3A_112 : memref<1x13x128xi32, #tpu.memory_space<hbm>> -> memref<13x128xi32, #tpu.memory_space<hbm>>
      %dma_start3A_114 = arith.constant 0 : i32
      %dma_start3A_115 = arith.constant 0 : i32
      %dma_start3A_116 = tpu.memref_slice %arg4[%add3A, %dma_start3A_114, %dma_start3A_115] : memref<32x13x128xi32, #tpu.memory_space<hbm>> -> memref<1x13x128xi32, #tpu.memory_space<hbm>>
      %dma_start3A_117 = tpu.memref_squeeze %dma_start3A_116 : memref<1x13x128xi32, #tpu.memory_space<hbm>> -> memref<13x128xi32, #tpu.memory_space<hbm>>
      tpu.enqueue_dma source(%dma_start3A_117 : memref<13x128xi32, #tpu.memory_space<hbm>>) target(%arg10 : memref<13x128xi32, #tpu.memory_space<vmem>>) target_semaphore(%run_scoped3A : memref<!tpu.dma_semaphore, #tpu.memory_space<semaphore_mem>>)
      %dma_wait3A_118 = arith.constant 0 : i32
      %dma_wait3A_119 = arith.constant 0 : i32
      %dma_wait3A_120 = tpu.memref_slice %arg4[%add3A, %dma_wait3A_118, %dma_wait3A_119] : memref<32x13x128xi32, #tpu.memory_space<hbm>> -> memref<1x13x128xi32, #tpu.memory_space<hbm>>
      %dma_wait3A_121 = tpu.memref_squeeze %dma_wait3A_120 : memref<1x13x128xi32, #tpu.memory_space<hbm>> -> memref<13x128xi32, #tpu.memory_space<hbm>>
      %dma_wait3A_122 = arith.constant 0 : i32
      %dma_wait3A_123 = arith.constant 0 : i32
      %dma_wait3A_124 = tpu.memref_slice %arg4[%add3A, %dma_wait3A_122, %dma_wait3A_123] : memref<32x13x128xi32, #tpu.memory_space<hbm>> -> memref<1x13x128xi32, #tpu.memory_space<hbm>>
      %dma_wait3A_125 = tpu.memref_squeeze %dma_wait3A_124 : memref<1x13x128xi32, #tpu.memory_space<hbm>> -> memref<13x128xi32, #tpu.memory_space<hbm>>
      tpu.wait_dma2 semaphore(%run_scoped3A : memref<!tpu.dma_semaphore, #tpu.memory_space<semaphore_mem>>) src(%dma_wait3A_125 : memref<13x128xi32, #tpu.memory_space<hbm>>) dst(%arg10 : memref<13x128xi32, #tpu.memory_space<vmem>>)
      tpu.yield
    }) : () -> ()
    "tpu.region"() ({
      %run_scoped3A = tpu.sem_alloc : memref<!tpu.dma_semaphore, #tpu.memory_space<semaphore_mem>>
      %dma_start3A_110 = arith.constant 0 : i32
      %dma_start3A_111 = arith.constant 0 : i32
      %dma_start3A_112 = tpu.memref_slice %arg5[%add3A, %dma_start3A_110, %dma_start3A_111] : memref<32x100x16xi32, #tpu.memory_space<hbm>> -> memref<1x100x16xi32, #tpu.memory_space<hbm>>
      %dma_start3A_113 = tpu.memref_squeeze %dma_start3A_112 : memref<1x100x16xi32, #tpu.memory_space<hbm>> -> memref<100x16xi32, #tpu.memory_space<hbm>>
      %dma_start3A_114 = arith.constant 0 : i32
      %dma_start3A_115 = arith.constant 0 : i32
      %dma_start3A_116 = tpu.memref_slice %arg5[%add3A, %dma_start3A_114, %dma_start3A_115] : memref<32x100x16xi32, #tpu.memory_space<hbm>> -> memref<1x100x16xi32, #tpu.memory_space<hbm>>
      %dma_start3A_117 = tpu.memref_squeeze %dma_start3A_116 : memref<1x100x16xi32, #tpu.memory_space<hbm>> -> memref<100x16xi32, #tpu.memory_space<hbm>>
      tpu.enqueue_dma source(%dma_start3A_117 : memref<100x16xi32, #tpu.memory_space<hbm>>) target(%arg11 : memref<100x16xi32, #tpu.memory_space<vmem>>) target_semaphore(%run_scoped3A : memref<!tpu.dma_semaphore, #tpu.memory_space<semaphore_mem>>)
      %dma_wait3A_118 = arith.constant 0 : i32
      %dma_wait3A_119 = arith.constant 0 : i32
      %dma_wait3A_120 = tpu.memref_slice %arg5[%add3A, %dma_wait3A_118, %dma_wait3A_119] : memref<32x100x16xi32, #tpu.memory_space<hbm>> -> memref<1x100x16xi32, #tpu.memory_space<hbm>>
      %dma_wait3A_121 = tpu.memref_squeeze %dma_wait3A_120 : memref<1x100x16xi32, #tpu.memory_space<hbm>> -> memref<100x16xi32, #tpu.memory_space<hbm>>
      %dma_wait3A_122 = arith.constant 0 : i32
      %dma_wait3A_123 = arith.constant 0 : i32
      %dma_wait3A_124 = tpu.memref_slice %arg5[%add3A, %dma_wait3A_122, %dma_wait3A_123] : memref<32x100x16xi32, #tpu.memory_space<hbm>> -> memref<1x100x16xi32, #tpu.memory_space<hbm>>
      %dma_wait3A_125 = tpu.memref_squeeze %dma_wait3A_124 : memref<1x100x16xi32, #tpu.memory_space<hbm>> -> memref<100x16xi32, #tpu.memory_space<hbm>>
      tpu.wait_dma2 semaphore(%run_scoped3A : memref<!tpu.dma_semaphore, #tpu.memory_space<semaphore_mem>>) src(%dma_wait3A_125 : memref<100x16xi32, #tpu.memory_space<hbm>>) dst(%arg11 : memref<100x16xi32, #tpu.memory_space<vmem>>)
      tpu.yield
    }) : () -> ()
    "tpu.region"() ({
      %run_scoped3A = tpu.sem_alloc : memref<!tpu.dma_semaphore, #tpu.memory_space<semaphore_mem>>
      %dma_start3A_110 = arith.constant 0 : i32
      %dma_start3A_111 = arith.constant 0 : i32
      %dma_start3A_112 = tpu.memref_slice %arg6[%add3A, %dma_start3A_110, %dma_start3A_111] : memref<32x100x16xi32, #tpu.memory_space<hbm>> -> memref<1x100x16xi32, #tpu.memory_space<hbm>>
      %dma_start3A_113 = tpu.memref_squeeze %dma_start3A_112 : memref<1x100x16xi32, #tpu.memory_space<hbm>> -> memref<100x16xi32, #tpu.memory_space<hbm>>
      %dma_start3A_114 = arith.constant 0 : i32
      %dma_start3A_115 = arith.constant 0 : i32
      %dma_start3A_116 = tpu.memref_slice %arg6[%add3A, %dma_start3A_114, %dma_start3A_115] : memref<32x100x16xi32, #tpu.memory_space<hbm>> -> memref<1x100x16xi32, #tpu.memory_space<hbm>>
      %dma_start3A_117 = tpu.memref_squeeze %dma_start3A_116 : memref<1x100x16xi32, #tpu.memory_space<hbm>> -> memref<100x16xi32, #tpu.memory_space<hbm>>
      tpu.enqueue_dma source(%dma_start3A_117 : memref<100x16xi32, #tpu.memory_space<hbm>>) target(%arg12 : memref<100x16xi32, #tpu.memory_space<vmem>>) target_semaphore(%run_scoped3A : memref<!tpu.dma_semaphore, #tpu.memory_space<semaphore_mem>>)
      %dma_wait3A_118 = arith.constant 0 : i32
      %dma_wait3A_119 = arith.constant 0 : i32
      %dma_wait3A_120 = tpu.memref_slice %arg6[%add3A, %dma_wait3A_118, %dma_wait3A_119] : memref<32x100x16xi32, #tpu.memory_space<hbm>> -> memref<1x100x16xi32, #tpu.memory_space<hbm>>
      %dma_wait3A_121 = tpu.memref_squeeze %dma_wait3A_120 : memref<1x100x16xi32, #tpu.memory_space<hbm>> -> memref<100x16xi32, #tpu.memory_space<hbm>>
      %dma_wait3A_122 = arith.constant 0 : i32
      %dma_wait3A_123 = arith.constant 0 : i32
      %dma_wait3A_124 = tpu.memref_slice %arg6[%add3A, %dma_wait3A_122, %dma_wait3A_123] : memref<32x100x16xi32, #tpu.memory_space<hbm>> -> memref<1x100x16xi32, #tpu.memory_space<hbm>>
      %dma_wait3A_125 = tpu.memref_squeeze %dma_wait3A_124 : memref<1x100x16xi32, #tpu.memory_space<hbm>> -> memref<100x16xi32, #tpu.memory_space<hbm>>
      tpu.wait_dma2 semaphore(%run_scoped3A : memref<!tpu.dma_semaphore, #tpu.memory_space<semaphore_mem>>) src(%dma_wait3A_125 : memref<100x16xi32, #tpu.memory_space<hbm>>) dst(%arg12 : memref<100x16xi32, #tpu.memory_space<vmem>>)
      tpu.yield
    }) : () -> ()
    "tpu.region"() ({
      %run_scoped3A = tpu.sem_alloc : memref<!tpu.dma_semaphore, #tpu.memory_space<semaphore_mem>>
      tpu.enqueue_dma source(%arg7 : memref<1000xf32, #tpu.memory_space<hbm>>) target(%arg13 : memref<1000xf32, #tpu.memory_space<vmem>>) target_semaphore(%run_scoped3A : memref<!tpu.dma_semaphore, #tpu.memory_space<semaphore_mem>>)
      tpu.wait_dma2 semaphore(%run_scoped3A : memref<!tpu.dma_semaphore, #tpu.memory_space<semaphore_mem>>) src(%arg7 : memref<1000xf32, #tpu.memory_space<hbm>>) dst(%arg13 : memref<1000xf32, #tpu.memory_space<vmem>>)
      tpu.yield
    }) : () -> ()
    %broadcast_in_dim3A = arith.constant 0.000000e+00 : f32
    %broadcast_in_dim3A_21 = vector.broadcast %broadcast_in_dim3A : f32 to vector<16xf32>
    %swap3A = arith.constant 0 : index
    %swap3A_22 = tpu.vector_load %arg18[%swap3A] {strides = array<i32>} : memref<16xf32, #tpu.memory_space<vmem>>, vector<16xf32>,
    tpu.vector_store %arg18[%swap3A], %broadcast_in_dim3A_21 {strides = array<i32>} : memref<16xf32, #tpu.memory_space<vmem>>, vector<16xf32>,
    %iota3A = tpu.iota {dimensions = array<i32: 0>} : vector<16xi32>
    %dma_start3A = arith.constant 0 : i32
    %dma_start3A_23 = tpu.memref_slice %arg2[%dma_start3A] : memref<1000000xf32, #tpu.memory_space<hbm>> -> memref<8000xf32, #tpu.memory_space<hbm>>
    %dma_start3A_24 = arith.constant 0 : i32
    %dma_start3A_25 = tpu.memref_slice %arg2[%dma_start3A_24] : memref<1000000xf32, #tpu.memory_space<hbm>> -> memref<8000xf32, #tpu.memory_space<hbm>>
    tpu.enqueue_dma source(%dma_start3A_25 : memref<8000xf32, #tpu.memory_space<hbm>>) target(%arg14 : memref<8000xf32, #tpu.memory_space<vmem>>) target_semaphore(%arg19 : memref<!tpu.dma_semaphore, #tpu.memory_space<semaphore_mem>>)
    %get3A = arith.constant 0 : i32
    %get3A_26 = arith.index_cast %get3A : i32 to index
    %get3A_27 = arith.constant 0 : index
    %get3A_28 = tpu.vector_load %arg11[%get3A_26, %get3A_27] {strides = array<i32>} : memref<100x16xi32, #tpu.memory_space<vmem>>, vector<16xi32>,
    %get3A_29 = arith.constant 0 : i32
    %get3A_30 = arith.index_cast %get3A_29 : i32 to index
    %get3A_31 = arith.constant 0 : index
    %get3A_32 = tpu.vector_load %arg12[%get3A_30, %get3A_31] {strides = array<i32>} : memref<100x16xi32, #tpu.memory_space<vmem>>, vector<16xi32>,
    %mul3A_33 = arith.constant 8 : i32
    %mul3A_34 = vector.broadcast %mul3A_33 : i32 to vector<16xi32>
    %mul3A_35 = arith.muli %get3A_28, %mul3A_34 : vector<16xi32>
    %shift_right_logical3A = arith.constant 7 : i32
    %shift_right_logical3A_36 = vector.broadcast %shift_right_logical3A : i32 to vector<16xi32>
    %shift_right_logical3A_37 = arith.shrui %get3A_32, %shift_right_logical3A_36 : vector<16xi32>
    %add3A_38 = arith.addi %mul3A_35, %shift_right_logical3A_37 : vector<16xi32>
    %dma_start3A_39 = arith.constant 0 : i32
    %dma_start3A_40 = arith.constant 0 : i32
    %dma_start3A_41 = arith.constant 0 : i32
    %dma_start3A_42 = tpu.memref_slice %arg17[%dma_start3A_39, %dma_start3A_40, %dma_start3A_41] : memref<2x16x128xf32, #tpu.memory_space<vmem>> -> memref<1x16x128xf32, #tpu.memory_space<vmem>>
    %dma_start3A_43 = tpu.memref_squeeze %dma_start3A_42 : memref<1x16x128xf32, #tpu.memory_space<vmem>> -> memref<16x128xf32, #tpu.memory_space<vmem>>
    %dma_start3A_44 = arith.constant 0 : i32
    %dma_start3A_45 = arith.constant 0 : i32
    %dma_start3A_46 = tpu.memref_slice %arg3[%dma_start3A_44, %dma_start3A_45] : memref<8000x128xf32, #tpu.memory_space<hbm>> -> memref<8000x128xf32, #tpu.memory_space<hbm>>
    tpu.enqueue_indirect_dma source(%dma_start3A_46 : memref<8000x128xf32, #tpu.memory_space<hbm>>) target(%dma_start3A_43 : memref<16x128xf32, #tpu.memory_space<vmem>>) offsets(%add3A_38 : vector<16xi32>) semaphore(%arg23 : memref<!tpu.dma_semaphore, #tpu.memory_space<semaphore_mem>>)
    %scan3A = arith.constant 0 : i32
    %scan3A_47 = arith.constant 0 : i32
    %scan3A_48 = arith.constant 62 : i32
    %scan3A_49 = arith.addi %scan3A_47, %scan3A_48 : i32
    %scan3A_50 = arith.constant 1 : i32
    scf.for %scan3A_110 = %scan3A_47 to %scan3A_49 step %scan3A_50  : i32 {
      %mul3A_111 = arith.constant 2 : i32
      %mul3A_112 = arith.muli %mul3A_111, %scan3A_110 : i32
      %add3A_113 = arith.constant 1 : i32
      %add3A_114 = arith.addi %mul3A_112, %add3A_113 : i32
      %dma_wait3A_115 = arith.constant 0 : i32
      %dma_wait3A_116 = tpu.memref_slice %arg2[%dma_wait3A_115] : memref<1000000xf32, #tpu.memory_space<hbm>> -> memref<8000xf32, #tpu.memory_space<hbm>>
      %dma_wait3A_117 = arith.constant 0 : i32
      %dma_wait3A_118 = tpu.memref_slice %arg2[%dma_wait3A_117] : memref<1000000xf32, #tpu.memory_space<hbm>> -> memref<8000xf32, #tpu.memory_space<hbm>>
      tpu.wait_dma2 semaphore(%arg19 : memref<!tpu.dma_semaphore, #tpu.memory_space<semaphore_mem>>) src(%dma_wait3A_118 : memref<8000xf32, #tpu.memory_space<hbm>>) dst(%arg14 : memref<8000xf32, #tpu.memory_space<vmem>>)
      %mul3A_119 = arith.constant 8000 : i32
      %mul3A_120 = arith.muli %mul3A_119, %add3A_114 : i32
      %dma_start3A_121 = tpu.memref_slice %arg2[%mul3A_120] : memref<1000000xf32, #tpu.memory_space<hbm>> -> memref<8000xf32, #tpu.memory_space<hbm>>
      %dma_start3A_122 = tpu.memref_slice %arg2[%mul3A_120] : memref<1000000xf32, #tpu.memory_space<hbm>> -> memref<8000xf32, #tpu.memory_space<hbm>>
      tpu.enqueue_dma source(%dma_start3A_122 : memref<8000xf32, #tpu.memory_space<hbm>>) target(%arg15 : memref<8000xf32, #tpu.memory_space<vmem>>) target_semaphore(%arg20 : memref<!tpu.dma_semaphore, #tpu.memory_space<semaphore_mem>>)
      %gt3A = arith.constant 0 : i32
      %gt3A_123 = arith.cmpi sgt, %scan3A_110, %gt3A : i32
      %convert_element_type3A = arith.extui %gt3A_123 : i1 to i32
      %cond3A = arith.constant 0 : i32
      %cond3A_124 = arith.cmpi ne, %convert_element_type3A, %cond3A : i32
      scf.if %cond3A_124 {
        %dma_wait3A_188 = arith.constant 0 : i32
        %dma_wait3A_189 = arith.constant 0 : i32
        %dma_wait3A_190 = arith.constant 0 : i32
        %dma_wait3A_191 = tpu.memref_slice %arg16[%dma_wait3A_188, %dma_wait3A_189, %dma_wait3A_190] : memref<2x8x1664xf32, #tpu.memory_space<vmem>> -> memref<1x8x1664xf32, #tpu.memory_space<vmem>>
        %dma_wait3A_192 = tpu.memref_squeeze %dma_wait3A_191 : memref<1x8x1664xf32, #tpu.memory_space<vmem>> -> memref<8x1664xf32, #tpu.memory_space<vmem>>
        %dma_wait3A_193 = arith.constant 0 : i32
        %dma_wait3A_194 = tpu.memref_slice %arg8[%dma_wait3A_193, %mul3A_20] : memref<1000x51200xf32, #tpu.memory_space<hbm>> -> memref<8x1664xf32, #tpu.memory_space<hbm>>
        %dma_wait3A_195 = arith.constant 0 : i32
        %dma_wait3A_196 = tpu.memref_slice %arg8[%dma_wait3A_195, %mul3A_20] : memref<1000x51200xf32, #tpu.memory_space<hbm>> -> memref<8x1664xf32, #tpu.memory_space<hbm>>
        %dma_wait3A_197 = arith.constant 0 : i32
        %dma_wait3A_198 = arith.constant 0 : i32
        %dma_wait3A_199 = tpu.memref_slice %arg16[%dma_wait3A_188, %dma_wait3A_197, %dma_wait3A_198] : memref<2x8x1664xf32, #tpu.memory_space<vmem>> -> memref<1x8x1664xf32, #tpu.memory_space<vmem>>
        %dma_wait3A_200 = tpu.memref_squeeze %dma_wait3A_199 : memref<1x8x1664xf32, #tpu.memory_space<vmem>> -> memref<8x1664xf32, #tpu.memory_space<vmem>>
        tpu.wait_dma2 semaphore(%arg21 : memref<!tpu.dma_semaphore, #tpu.memory_space<semaphore_mem>>) src(%dma_wait3A_200 : memref<8x1664xf32, #tpu.memory_space<vmem>>) dst(%dma_wait3A_196 : memref<8x1664xf32, #tpu.memory_space<hbm>>)
      } else {
      }
      %lt3A = arith.constant 50 : i32
      %lt3A_125 = arith.cmpi slt, %scan3A_110, %lt3A : i32
      %convert_element_type3A_126 = arith.extui %lt3A_125 : i1 to i32
      %cond3A_127 = arith.constant 0 : i32
      %cond3A_128 = arith.cmpi ne, %convert_element_type3A_126, %cond3A_127 : i32
      scf.if %cond3A_128 {
        %mul3A_188 = arith.constant 2 : i32
        %mul3A_189 = arith.muli %mul3A_188, %scan3A_110 : i32
        %add3A_190 = arith.constant 1 : i32
        %add3A_191 = arith.addi %mul3A_189, %add3A_190 : i32
        %get3A_192 = arith.index_cast %add3A_191 : i32 to index
        %get3A_193 = arith.constant 0 : index
        %get3A_194 = tpu.vector_load %arg11[%get3A_192, %get3A_193] {strides = array<i32>} : memref<100x16xi32, #tpu.memory_space<vmem>>, vector<16xi32>,
        %get3A_195 = arith.index_cast %add3A_191 : i32 to index
        %get3A_196 = arith.constant 0 : index
        %get3A_197 = tpu.vector_load %arg12[%get3A_195, %get3A_196] {strides = array<i32>} : memref<100x16xi32, #tpu.memory_space<vmem>>, vector<16xi32>,
        %mul3A_198 = arith.constant 8 : i32
        %mul3A_199 = vector.broadcast %mul3A_198 : i32 to vector<16xi32>
        %mul3A_200 = arith.muli %get3A_194, %mul3A_199 : vector<16xi32>
        %shift_right_logical3A_201 = arith.constant 7 : i32
        %shift_right_logical3A_202 = vector.broadcast %shift_right_logical3A_201 : i32 to vector<16xi32>
        %shift_right_logical3A_203 = arith.shrui %get3A_197, %shift_right_logical3A_202 : vector<16xi32>
        %add3A_204 = arith.addi %mul3A_200, %shift_right_logical3A_203 : vector<16xi32>
        %dma_start3A_205 = arith.constant 1 : i32
        %dma_start3A_206 = arith.constant 0 : i32
        %dma_start3A_207 = arith.constant 0 : i32
        %dma_start3A_208 = tpu.memref_slice %arg17[%dma_start3A_205, %dma_start3A_206, %dma_start3A_207] : memref<2x16x128xf32, #tpu.memory_space<vmem>> -> memref<1x16x128xf32, #tpu.memory_space<vmem>>
        %dma_start3A_209 = tpu.memref_squeeze %dma_start3A_208 : memref<1x16x128xf32, #tpu.memory_space<vmem>> -> memref<16x128xf32, #tpu.memory_space<vmem>>
        %dma_start3A_210 = arith.constant 0 : i32
        %dma_start3A_211 = arith.constant 0 : i32
        %dma_start3A_212 = tpu.memref_slice %arg3[%dma_start3A_210, %dma_start3A_211] : memref<8000x128xf32, #tpu.memory_space<hbm>> -> memref<8000x128xf32, #tpu.memory_space<hbm>>
        tpu.enqueue_indirect_dma source(%dma_start3A_212 : memref<8000x128xf32, #tpu.memory_space<hbm>>) target(%dma_start3A_209 : memref<16x128xf32, #tpu.memory_space<vmem>>) offsets(%add3A_204 : vector<16xi32>) semaphore(%arg24 : memref<!tpu.dma_semaphore, #tpu.memory_space<semaphore_mem>>)
        %mul3A_213 = arith.constant 2 : i32
        %mul3A_214 = arith.muli %mul3A_213, %scan3A_110 : i32
        %dma_wait3A_215 = arith.constant 0 : i32
        %dma_wait3A_216 = arith.constant 0 : i32
        %dma_wait3A_217 = arith.constant 0 : i32
        %dma_wait3A_218 = tpu.memref_slice %arg17[%dma_wait3A_215, %dma_wait3A_216, %dma_wait3A_217] : memref<2x16x128xf32, #tpu.memory_space<vmem>> -> memref<1x16x128xf32, #tpu.memory_space<vmem>>
        %dma_wait3A_219 = tpu.memref_squeeze %dma_wait3A_218 : memref<1x16x128xf32, #tpu.memory_space<vmem>> -> memref<16x128xf32, #tpu.memory_space<vmem>>
        %dma_wait3A_220 = arith.constant 0 : i32
        %dma_wait3A_221 = arith.constant 0 : i32
        %dma_wait3A_222 = tpu.memref_slice %arg3[%dma_wait3A_220, %dma_wait3A_221] : memref<8000x128xf32, #tpu.memory_space<hbm>> -> memref<16x128xf32, #tpu.memory_space<hbm>>
        %dma_wait3A_223 = arith.constant 0 : i32
        %dma_wait3A_224 = arith.constant 0 : i32
        %dma_wait3A_225 = tpu.memref_slice %arg17[%dma_wait3A_215, %dma_wait3A_223, %dma_wait3A_224] : memref<2x16x128xf32, #tpu.memory_space<vmem>> -> memref<1x16x128xf32, #tpu.memory_space<vmem>>
        %dma_wait3A_226 = tpu.memref_squeeze %dma_wait3A_225 : memref<1x16x128xf32, #tpu.memory_space<vmem>> -> memref<16x128xf32, #tpu.memory_space<vmem>>
        %dma_wait3A_227 = arith.constant 0 : i32
        %dma_wait3A_228 = arith.constant 0 : i32
        %dma_wait3A_229 = tpu.memref_slice %arg3[%dma_wait3A_227, %dma_wait3A_228] : memref<8000x128xf32, #tpu.memory_space<hbm>> -> memref<16x128xf32, #tpu.memory_space<hbm>>
        tpu.wait_dma2 semaphore(%arg23 : memref<!tpu.dma_semaphore, #tpu.memory_space<semaphore_mem>>) src(%dma_wait3A_229 : memref<16x128xf32, #tpu.memory_space<hbm>>) dst(%dma_wait3A_226 : memref<16x128xf32, #tpu.memory_space<vmem>>)
        %get3A_230 = arith.index_cast %mul3A_214 : i32 to index
        %get3A_231 = arith.constant 0 : index
        %get3A_232 = tpu.vector_load %arg11[%get3A_230, %get3A_231] {strides = array<i32>} : memref<100x16xi32, #tpu.memory_space<vmem>>, vector<16xi32>,
        %get3A_233 = arith.index_cast %mul3A_214 : i32 to index
        %get3A_234 = arith.constant 0 : index
        %get3A_235 = tpu.vector_load %arg12[%get3A_233, %get3A_234] {strides = array<i32>} : memref<100x16xi32, #tpu.memory_space<vmem>>, vector<16xi32>,
        %and3A_236 = arith.constant 127 : i32
        %and3A_237 = vector.broadcast %and3A_236 : i32 to vector<16xi32>
        %and3A_238 = arith.andi %get3A_235, %and3A_237 : vector<16xi32>
        %gather3A = arith.constant 0 : i32
        %gather3A_239 = arith.constant 0 : i32
        %gather3A_240 = arith.constant 0 : i32
        %gather3A_241 = tpu.memref_slice %arg17[%gather3A, %gather3A_239, %gather3A_240] : memref<2x16x128xf32, #tpu.memory_space<vmem>> -> memref<1x16x128xf32, #tpu.memory_space<vmem>>
        %gather3A_242 = tpu.memref_squeeze %gather3A_241 : memref<1x16x128xf32, #tpu.memory_space<vmem>> -> memref<16x128xf32, #tpu.memory_space<vmem>>
        %gather3A_243 = tpu.vector_load_idx %gather3A_242[%iota3A, %and3A_238] : memref<16x128xf32, #tpu.memory_space<vmem>>[vector<16xi32>, vector<16xi32>], vector<16xf32>,
        %gather3A_244 = tpu.vector_load_idx %arg13[%get3A_232] : memref<1000xf32, #tpu.memory_space<vmem>>[vector<16xi32>], vector<16xf32>,
        %get3A_245 = arith.constant 0 : index
        %get3A_246 = tpu.vector_load %arg18[%get3A_245] {strides = array<i32>} : memref<16xf32, #tpu.memory_space<vmem>>, vector<16xf32>,
        %sub3A_247 = arith.subf %gather3A_244, %gather3A_243 : vector<16xf32>
        %add3A_248 = arith.addf %get3A_246, %sub3A_247 : vector<16xf32>
        %swap3A_249 = arith.constant 0 : index
        %swap3A_250 = tpu.vector_load %arg18[%swap3A_249] {strides = array<i32>} : memref<16xf32, #tpu.memory_space<vmem>>, vector<16xf32>,
        tpu.vector_store %arg18[%swap3A_249], %add3A_248 {strides = array<i32>} : memref<16xf32, #tpu.memory_space<vmem>>, vector<16xf32>,
      } else {
      }
      %parallel_loop3A_129 = arith.constant 0 : i32
      %parallel_loop3A_130 = arith.constant 104 : i32
      %parallel_loop3A_131 = arith.constant 1 : i32
      %parallel_loop3A_132 = arith.constant 0 : i32
      scf.for %parallel_loop3A_188 = %parallel_loop3A_129 to %parallel_loop3A_130 step %parallel_loop3A_131  : i32 {
        %parallel_loop3A_189 = arith.constant 8 : i32
        %parallel_loop3A_190 = arith.divsi %parallel_loop3A_188, %parallel_loop3A_189 : i32
        %parallel_loop3A_191 = arith.constant 0 : i32
        %parallel_loop3A_192 = arith.cmpi sgt, %parallel_loop3A_188, %parallel_loop3A_191 : i32
        %parallel_loop3A_193 = arith.extui %parallel_loop3A_192 : i1 to i32
        %parallel_loop3A_194 = arith.constant 0 : i32
        %parallel_loop3A_195 = arith.cmpi slt, %parallel_loop3A_188, %parallel_loop3A_194 : i32
        %parallel_loop3A_196 = arith.extui %parallel_loop3A_195 : i1 to i32
        %parallel_loop3A_197 = arith.subi %parallel_loop3A_193, %parallel_loop3A_196 : i32
        %parallel_loop3A_198 = arith.constant 0 : i32
        %parallel_loop3A_199 = arith.cmpi sgt, %parallel_loop3A_189, %parallel_loop3A_198 : i32
        %parallel_loop3A_200 = arith.extui %parallel_loop3A_199 : i1 to i32
        %parallel_loop3A_201 = arith.constant 0 : i32
        %parallel_loop3A_202 = arith.cmpi slt, %parallel_loop3A_189, %parallel_loop3A_201 : i32
        %parallel_loop3A_203 = arith.extui %parallel_loop3A_202 : i1 to i32
        %parallel_loop3A_204 = arith.subi %parallel_loop3A_200, %parallel_loop3A_203 : i32
        %parallel_loop3A_205 = arith.cmpi ne, %parallel_loop3A_197, %parallel_loop3A_204 : i32
        %parallel_loop3A_206 = arith.remsi %parallel_loop3A_188, %parallel_loop3A_189 : i32
        %parallel_loop3A_207 = arith.constant 0 : i32
        %parallel_loop3A_208 = arith.cmpi ne, %parallel_loop3A_206, %parallel_loop3A_207 : i32
        %parallel_loop3A_209 = arith.andi %parallel_loop3A_205, %parallel_loop3A_208 : i1
        %parallel_loop3A_210 = arith.constant 1 : i32
        %parallel_loop3A_211 = arith.subi %parallel_loop3A_190, %parallel_loop3A_210 : i32
        %parallel_loop3A_212 = arith.select %parallel_loop3A_209, %parallel_loop3A_211, %parallel_loop3A_190 : i32
        %parallel_loop3A_213 = arith.constant 8 : i32
        %parallel_loop3A_214 = arith.constant 0 : i32
        %parallel_loop3A_215 = arith.cmpi eq, %parallel_loop3A_213, %parallel_loop3A_214 : i32
        %parallel_loop3A_216 = arith.constant 1 : i32
        %parallel_loop3A_217 = arith.select %parallel_loop3A_215, %parallel_loop3A_216, %parallel_loop3A_213 : i32
        %parallel_loop3A_218 = arith.remsi %parallel_loop3A_188, %parallel_loop3A_217 : i32
        %parallel_loop3A_219 = arith.constant 0 : i32
        %parallel_loop3A_220 = arith.cmpi ne, %parallel_loop3A_218, %parallel_loop3A_219 : i32
        %parallel_loop3A_221 = arith.constant 0 : i32
        %parallel_loop3A_222 = arith.cmpi slt, %parallel_loop3A_218, %parallel_loop3A_221 : i32
        %parallel_loop3A_223 = arith.constant 0 : i32
        %parallel_loop3A_224 = arith.cmpi slt, %parallel_loop3A_217, %parallel_loop3A_223 : i32
        %parallel_loop3A_225 = arith.xori %parallel_loop3A_222, %parallel_loop3A_224 : i1
        %parallel_loop3A_226 = arith.andi %parallel_loop3A_225, %parallel_loop3A_220 : i1
        %parallel_loop3A_227 = arith.addi %parallel_loop3A_218, %parallel_loop3A_217 : i32
        %parallel_loop3A_228 = arith.select %parallel_loop3A_226, %parallel_loop3A_227, %parallel_loop3A_218 : i32
        %parallel_loop3A_229 = arith.constant 16 : i32
        %parallel_loop3A_230 = arith.muli %parallel_loop3A_229, %parallel_loop3A_228 : i32
        %parallel_loop3A_231 = arith.index_cast %parallel_loop3A_212 : i32 to index
        %parallel_loop3A_232 = arith.index_cast %parallel_loop3A_230 : i32 to index
        %parallel_loop3A_233 = tpu.vector_load %arg10[%parallel_loop3A_231, %parallel_loop3A_232] {strides = array<i32>} : memref<13x128xi32, #tpu.memory_space<vmem>>, vector<16xi32>,
        %parallel_loop3A_234 = arith.constant 0 : i32
        %parallel_loop3A_235 = vector.broadcast %parallel_loop3A_234 : i32 to vector<16xi32>
        %parallel_loop3A_236 = arith.addi %parallel_loop3A_233, %parallel_loop3A_235 : vector<16xi32>
        %parallel_loop3A_237 = tpu.vector_load_idx %arg14[%parallel_loop3A_236] : memref<8000xf32, #tpu.memory_space<vmem>>[vector<16xi32>], vector<16xf32>,
        %parallel_loop3A_238 = arith.constant 128 : i32
        %parallel_loop3A_239 = arith.muli %parallel_loop3A_238, %parallel_loop3A_212 : i32
        %parallel_loop3A_240 = arith.constant 16 : i32
        %parallel_loop3A_241 = arith.muli %parallel_loop3A_240, %parallel_loop3A_228 : i32
        %parallel_loop3A_242 = arith.addi %parallel_loop3A_239, %parallel_loop3A_241 : i32
        %parallel_loop3A_243 = arith.constant 0 : i32
        %parallel_loop3A_244 = arith.constant 0 : i32
        %parallel_loop3A_245 = arith.constant 0 : i32
        %parallel_loop3A_246 = tpu.memref_slice %arg16[%parallel_loop3A_132, %parallel_loop3A_244, %parallel_loop3A_245] : memref<2x8x1664xf32, #tpu.memory_space<vmem>> -> memref<1x8x1664xf32, #tpu.memory_space<vmem>>
        %parallel_loop3A_247 = tpu.memref_squeeze %parallel_loop3A_246 : memref<1x8x1664xf32, #tpu.memory_space<vmem>> -> memref<8x1664xf32, #tpu.memory_space<vmem>>
        %parallel_loop3A_248 = arith.index_cast %parallel_loop3A_243 : i32 to index
        %parallel_loop3A_249 = arith.index_cast %parallel_loop3A_242 : i32 to index
        %parallel_loop3A_250 = tpu.vector_load %parallel_loop3A_247[%parallel_loop3A_248, %parallel_loop3A_249] {strides = array<i32>} : memref<8x1664xf32, #tpu.memory_space<vmem>>, vector<16xf32>,
        tpu.vector_store %parallel_loop3A_247[%parallel_loop3A_248, %parallel_loop3A_249], %parallel_loop3A_237 {strides = array<i32>} : memref<8x1664xf32, #tpu.memory_space<vmem>>, vector<16xf32>,
        %parallel_loop3A_251 = arith.constant 1000 : i32
        %parallel_loop3A_252 = vector.broadcast %parallel_loop3A_251 : i32 to vector<16xi32>
        %parallel_loop3A_253 = arith.addi %parallel_loop3A_233, %parallel_loop3A_252 : vector<16xi32>
        %parallel_loop3A_254 = tpu.vector_load_idx %arg14[%parallel_loop3A_253] : memref<8000xf32, #tpu.memory_space<vmem>>[vector<16xi32>], vector<16xf32>,
        %parallel_loop3A_255 = arith.constant 128 : i32
        %parallel_loop3A_256 = arith.muli %parallel_loop3A_255, %parallel_loop3A_212 : i32
        %parallel_loop3A_257 = arith.constant 16 : i32
        %parallel_loop3A_258 = arith.muli %parallel_loop3A_257, %parallel_loop3A_228 : i32
        %parallel_loop3A_259 = arith.addi %parallel_loop3A_256, %parallel_loop3A_258 : i32
        %parallel_loop3A_260 = arith.constant 1 : i32
        %parallel_loop3A_261 = arith.constant 0 : i32
        %parallel_loop3A_262 = arith.constant 0 : i32
        %parallel_loop3A_263 = tpu.memref_slice %arg16[%parallel_loop3A_132, %parallel_loop3A_261, %parallel_loop3A_262] : memref<2x8x1664xf32, #tpu.memory_space<vmem>> -> memref<1x8x1664xf32, #tpu.memory_space<vmem>>
        %parallel_loop3A_264 = tpu.memref_squeeze %parallel_loop3A_263 : memref<1x8x1664xf32, #tpu.memory_space<vmem>> -> memref<8x1664xf32, #tpu.memory_space<vmem>>
        %parallel_loop3A_265 = arith.index_cast %parallel_loop3A_260 : i32 to index
        %parallel_loop3A_266 = arith.index_cast %parallel_loop3A_259 : i32 to index
        %parallel_loop3A_267 = tpu.vector_load %parallel_loop3A_264[%parallel_loop3A_265, %parallel_loop3A_266] {strides = array<i32>} : memref<8x1664xf32, #tpu.memory_space<vmem>>, vector<16xf32>,
        tpu.vector_store %parallel_loop3A_264[%parallel_loop3A_265, %parallel_loop3A_266], %parallel_loop3A_254 {strides = array<i32>} : memref<8x1664xf32, #tpu.memory_space<vmem>>, vector<16xf32>,
        %parallel_loop3A_268 = arith.constant 2000 : i32
        %parallel_loop3A_269 = vector.broadcast %parallel_loop3A_268 : i32 to vector<16xi32>
        %parallel_loop3A_270 = arith.addi %parallel_loop3A_233, %parallel_loop3A_269 : vector<16xi32>
        %parallel_loop3A_271 = tpu.vector_load_idx %arg14[%parallel_loop3A_270] : memref<8000xf32, #tpu.memory_space<vmem>>[vector<16xi32>], vector<16xf32>,
        %parallel_loop3A_272 = arith.constant 128 : i32
        %parallel_loop3A_273 = arith.muli %parallel_loop3A_272, %parallel_loop3A_212 : i32
        %parallel_loop3A_274 = arith.constant 16 : i32
        %parallel_loop3A_275 = arith.muli %parallel_loop3A_274, %parallel_loop3A_228 : i32
        %parallel_loop3A_276 = arith.addi %parallel_loop3A_273, %parallel_loop3A_275 : i32
        %parallel_loop3A_277 = arith.constant 2 : i32
        %parallel_loop3A_278 = arith.constant 0 : i32
        %parallel_loop3A_279 = arith.constant 0 : i32
        %parallel_loop3A_280 = tpu.memref_slice %arg16[%parallel_loop3A_132, %parallel_loop3A_278, %parallel_loop3A_279] : memref<2x8x1664xf32, #tpu.memory_space<vmem>> -> memref<1x8x1664xf32, #tpu.memory_space<vmem>>
        %parallel_loop3A_281 = tpu.memref_squeeze %parallel_loop3A_280 : memref<1x8x1664xf32, #tpu.memory_space<vmem>> -> memref<8x1664xf32, #tpu.memory_space<vmem>>
        %parallel_loop3A_282 = arith.index_cast %parallel_loop3A_277 : i32 to index
        %parallel_loop3A_283 = arith.index_cast %parallel_loop3A_276 : i32 to index
        %parallel_loop3A_284 = tpu.vector_load %parallel_loop3A_281[%parallel_loop3A_282, %parallel_loop3A_283] {strides = array<i32>} : memref<8x1664xf32, #tpu.memory_space<vmem>>, vector<16xf32>,
        tpu.vector_store %parallel_loop3A_281[%parallel_loop3A_282, %parallel_loop3A_283], %parallel_loop3A_271 {strides = array<i32>} : memref<8x1664xf32, #tpu.memory_space<vmem>>, vector<16xf32>,
        %parallel_loop3A_285 = arith.constant 3000 : i32
        %parallel_loop3A_286 = vector.broadcast %parallel_loop3A_285 : i32 to vector<16xi32>
        %parallel_loop3A_287 = arith.addi %parallel_loop3A_233, %parallel_loop3A_286 : vector<16xi32>
        %parallel_loop3A_288 = tpu.vector_load_idx %arg14[%parallel_loop3A_287] : memref<8000xf32, #tpu.memory_space<vmem>>[vector<16xi32>], vector<16xf32>,
        %parallel_loop3A_289 = arith.constant 128 : i32
        %parallel_loop3A_290 = arith.muli %parallel_loop3A_289, %parallel_loop3A_212 : i32
        %parallel_loop3A_291 = arith.constant 16 : i32
        %parallel_loop3A_292 = arith.muli %parallel_loop3A_291, %parallel_loop3A_228 : i32
        %parallel_loop3A_293 = arith.addi %parallel_loop3A_290, %parallel_loop3A_292 : i32
        %parallel_loop3A_294 = arith.constant 3 : i32
        %parallel_loop3A_295 = arith.constant 0 : i32
        %parallel_loop3A_296 = arith.constant 0 : i32
        %parallel_loop3A_297 = tpu.memref_slice %arg16[%parallel_loop3A_132, %parallel_loop3A_295, %parallel_loop3A_296] : memref<2x8x1664xf32, #tpu.memory_space<vmem>> -> memref<1x8x1664xf32, #tpu.memory_space<vmem>>
        %parallel_loop3A_298 = tpu.memref_squeeze %parallel_loop3A_297 : memref<1x8x1664xf32, #tpu.memory_space<vmem>> -> memref<8x1664xf32, #tpu.memory_space<vmem>>
        %parallel_loop3A_299 = arith.index_cast %parallel_loop3A_294 : i32 to index
        %parallel_loop3A_300 = arith.index_cast %parallel_loop3A_293 : i32 to index
        %parallel_loop3A_301 = tpu.vector_load %parallel_loop3A_298[%parallel_loop3A_299, %parallel_loop3A_300] {strides = array<i32>} : memref<8x1664xf32, #tpu.memory_space<vmem>>, vector<16xf32>,
        tpu.vector_store %parallel_loop3A_298[%parallel_loop3A_299, %parallel_loop3A_300], %parallel_loop3A_288 {strides = array<i32>} : memref<8x1664xf32, #tpu.memory_space<vmem>>, vector<16xf32>,
        %parallel_loop3A_302 = arith.constant 4000 : i32
        %parallel_loop3A_303 = vector.broadcast %parallel_loop3A_302 : i32 to vector<16xi32>
        %parallel_loop3A_304 = arith.addi %parallel_loop3A_233, %parallel_loop3A_303 : vector<16xi32>
        %parallel_loop3A_305 = tpu.vector_load_idx %arg14[%parallel_loop3A_304] : memref<8000xf32, #tpu.memory_space<vmem>>[vector<16xi32>], vector<16xf32>,
        %parallel_loop3A_306 = arith.constant 128 : i32
        %parallel_loop3A_307 = arith.muli %parallel_loop3A_306, %parallel_loop3A_212 : i32
        %parallel_loop3A_308 = arith.constant 16 : i32
        %parallel_loop3A_309 = arith.muli %parallel_loop3A_308, %parallel_loop3A_228 : i32
        %parallel_loop3A_310 = arith.addi %parallel_loop3A_307, %parallel_loop3A_309 : i32
        %parallel_loop3A_311 = arith.constant 4 : i32
        %parallel_loop3A_312 = arith.constant 0 : i32
        %parallel_loop3A_313 = arith.constant 0 : i32
        %parallel_loop3A_314 = tpu.memref_slice %arg16[%parallel_loop3A_132, %parallel_loop3A_312, %parallel_loop3A_313] : memref<2x8x1664xf32, #tpu.memory_space<vmem>> -> memref<1x8x1664xf32, #tpu.memory_space<vmem>>
        %parallel_loop3A_315 = tpu.memref_squeeze %parallel_loop3A_314 : memref<1x8x1664xf32, #tpu.memory_space<vmem>> -> memref<8x1664xf32, #tpu.memory_space<vmem>>
        %parallel_loop3A_316 = arith.index_cast %parallel_loop3A_311 : i32 to index
        %parallel_loop3A_317 = arith.index_cast %parallel_loop3A_310 : i32 to index
        %parallel_loop3A_318 = tpu.vector_load %parallel_loop3A_315[%parallel_loop3A_316, %parallel_loop3A_317] {strides = array<i32>} : memref<8x1664xf32, #tpu.memory_space<vmem>>, vector<16xf32>,
        tpu.vector_store %parallel_loop3A_315[%parallel_loop3A_316, %parallel_loop3A_317], %parallel_loop3A_305 {strides = array<i32>} : memref<8x1664xf32, #tpu.memory_space<vmem>>, vector<16xf32>,
        %parallel_loop3A_319 = arith.constant 5000 : i32
        %parallel_loop3A_320 = vector.broadcast %parallel_loop3A_319 : i32 to vector<16xi32>
        %parallel_loop3A_321 = arith.addi %parallel_loop3A_233, %parallel_loop3A_320 : vector<16xi32>
        %parallel_loop3A_322 = tpu.vector_load_idx %arg14[%parallel_loop3A_321] : memref<8000xf32, #tpu.memory_space<vmem>>[vector<16xi32>], vector<16xf32>,
        %parallel_loop3A_323 = arith.constant 128 : i32
        %parallel_loop3A_324 = arith.muli %parallel_loop3A_323, %parallel_loop3A_212 : i32
        %parallel_loop3A_325 = arith.constant 16 : i32
        %parallel_loop3A_326 = arith.muli %parallel_loop3A_325, %parallel_loop3A_228 : i32
        %parallel_loop3A_327 = arith.addi %parallel_loop3A_324, %parallel_loop3A_326 : i32
        %parallel_loop3A_328 = arith.constant 5 : i32
        %parallel_loop3A_329 = arith.constant 0 : i32
        %parallel_loop3A_330 = arith.constant 0 : i32
        %parallel_loop3A_331 = tpu.memref_slice %arg16[%parallel_loop3A_132, %parallel_loop3A_329, %parallel_loop3A_330] : memref<2x8x1664xf32, #tpu.memory_space<vmem>> -> memref<1x8x1664xf32, #tpu.memory_space<vmem>>
        %parallel_loop3A_332 = tpu.memref_squeeze %parallel_loop3A_331 : memref<1x8x1664xf32, #tpu.memory_space<vmem>> -> memref<8x1664xf32, #tpu.memory_space<vmem>>
        %parallel_loop3A_333 = arith.index_cast %parallel_loop3A_328 : i32 to index
        %parallel_loop3A_334 = arith.index_cast %parallel_loop3A_327 : i32 to index
        %parallel_loop3A_335 = tpu.vector_load %parallel_loop3A_332[%parallel_loop3A_333, %parallel_loop3A_334] {strides = array<i32>} : memref<8x1664xf32, #tpu.memory_space<vmem>>, vector<16xf32>,
        tpu.vector_store %parallel_loop3A_332[%parallel_loop3A_333, %parallel_loop3A_334], %parallel_loop3A_322 {strides = array<i32>} : memref<8x1664xf32, #tpu.memory_space<vmem>>, vector<16xf32>,
        %parallel_loop3A_336 = arith.constant 6000 : i32
        %parallel_loop3A_337 = vector.broadcast %parallel_loop3A_336 : i32 to vector<16xi32>
        %parallel_loop3A_338 = arith.addi %parallel_loop3A_233, %parallel_loop3A_337 : vector<16xi32>
        %parallel_loop3A_339 = tpu.vector_load_idx %arg14[%parallel_loop3A_338] : memref<8000xf32, #tpu.memory_space<vmem>>[vector<16xi32>], vector<16xf32>,
        %parallel_loop3A_340 = arith.constant 128 : i32
        %parallel_loop3A_341 = arith.muli %parallel_loop3A_340, %parallel_loop3A_212 : i32
        %parallel_loop3A_342 = arith.constant 16 : i32
        %parallel_loop3A_343 = arith.muli %parallel_loop3A_342, %parallel_loop3A_228 : i32
        %parallel_loop3A_344 = arith.addi %parallel_loop3A_341, %parallel_loop3A_343 : i32
        %parallel_loop3A_345 = arith.constant 6 : i32
        %parallel_loop3A_346 = arith.constant 0 : i32
        %parallel_loop3A_347 = arith.constant 0 : i32
        %parallel_loop3A_348 = tpu.memref_slice %arg16[%parallel_loop3A_132, %parallel_loop3A_346, %parallel_loop3A_347] : memref<2x8x1664xf32, #tpu.memory_space<vmem>> -> memref<1x8x1664xf32, #tpu.memory_space<vmem>>
        %parallel_loop3A_349 = tpu.memref_squeeze %parallel_loop3A_348 : memref<1x8x1664xf32, #tpu.memory_space<vmem>> -> memref<8x1664xf32, #tpu.memory_space<vmem>>
        %parallel_loop3A_350 = arith.index_cast %parallel_loop3A_345 : i32 to index
        %parallel_loop3A_351 = arith.index_cast %parallel_loop3A_344 : i32 to index
        %parallel_loop3A_352 = tpu.vector_load %parallel_loop3A_349[%parallel_loop3A_350, %parallel_loop3A_351] {strides = array<i32>} : memref<8x1664xf32, #tpu.memory_space<vmem>>, vector<16xf32>,
        tpu.vector_store %parallel_loop3A_349[%parallel_loop3A_350, %parallel_loop3A_351], %parallel_loop3A_339 {strides = array<i32>} : memref<8x1664xf32, #tpu.memory_space<vmem>>, vector<16xf32>,
        %parallel_loop3A_353 = arith.constant 7000 : i32
        %parallel_loop3A_354 = vector.broadcast %parallel_loop3A_353 : i32 to vector<16xi32>
        %parallel_loop3A_355 = arith.addi %parallel_loop3A_233, %parallel_loop3A_354 : vector<16xi32>
        %parallel_loop3A_356 = tpu.vector_load_idx %arg14[%parallel_loop3A_355] : memref<8000xf32, #tpu.memory_space<vmem>>[vector<16xi32>], vector<16xf32>,
        %parallel_loop3A_357 = arith.constant 128 : i32
        %parallel_loop3A_358 = arith.muli %parallel_loop3A_357, %parallel_loop3A_212 : i32
        %parallel_loop3A_359 = arith.constant 16 : i32
        %parallel_loop3A_360 = arith.muli %parallel_loop3A_359, %parallel_loop3A_228 : i32
        %parallel_loop3A_361 = arith.addi %parallel_loop3A_358, %parallel_loop3A_360 : i32
        %parallel_loop3A_362 = arith.constant 7 : i32
        %parallel_loop3A_363 = arith.constant 0 : i32
        %parallel_loop3A_364 = arith.constant 0 : i32
        %parallel_loop3A_365 = tpu.memref_slice %arg16[%parallel_loop3A_132, %parallel_loop3A_363, %parallel_loop3A_364] : memref<2x8x1664xf32, #tpu.memory_space<vmem>> -> memref<1x8x1664xf32, #tpu.memory_space<vmem>>
        %parallel_loop3A_366 = tpu.memref_squeeze %parallel_loop3A_365 : memref<1x8x1664xf32, #tpu.memory_space<vmem>> -> memref<8x1664xf32, #tpu.memory_space<vmem>>
        %parallel_loop3A_367 = arith.index_cast %parallel_loop3A_362 : i32 to index
        %parallel_loop3A_368 = arith.index_cast %parallel_loop3A_361 : i32 to index
        %parallel_loop3A_369 = tpu.vector_load %parallel_loop3A_366[%parallel_loop3A_367, %parallel_loop3A_368] {strides = array<i32>} : memref<8x1664xf32, #tpu.memory_space<vmem>>, vector<16xf32>,
        tpu.vector_store %parallel_loop3A_366[%parallel_loop3A_367, %parallel_loop3A_368], %parallel_loop3A_356 {strides = array<i32>} : memref<8x1664xf32, #tpu.memory_space<vmem>>, vector<16xf32>,
      } {sc.loop_unroll_factor = 8 : i64, sc.parallel_access}
      %mul3A_133 = arith.constant 8 : i32
      %mul3A_134 = arith.muli %mul3A_133, %mul3A_112 : i32
      %dma_start3A_135 = arith.constant 0 : i32
      %dma_start3A_136 = arith.constant 0 : i32
      %dma_start3A_137 = arith.constant 0 : i32
      %dma_start3A_138 = tpu.memref_slice %arg16[%dma_start3A_135, %dma_start3A_136, %dma_start3A_137] : memref<2x8x1664xf32, #tpu.memory_space<vmem>> -> memref<1x8x1664xf32, #tpu.memory_space<vmem>>
      %dma_start3A_139 = tpu.memref_squeeze %dma_start3A_138 : memref<1x8x1664xf32, #tpu.memory_space<vmem>> -> memref<8x1664xf32, #tpu.memory_space<vmem>>
      %dma_start3A_140 = tpu.memref_slice %arg8[%mul3A_134, %mul3A_20] : memref<1000x51200xf32, #tpu.memory_space<hbm>> -> memref<8x1664xf32, #tpu.memory_space<hbm>>
      %dma_start3A_141 = tpu.memref_slice %arg8[%mul3A_134, %mul3A_20] : memref<1000x51200xf32, #tpu.memory_space<hbm>> -> memref<8x1664xf32, #tpu.memory_space<hbm>>
      %dma_start3A_142 = arith.constant 0 : i32
      %dma_start3A_143 = arith.constant 0 : i32
      %dma_start3A_144 = tpu.memref_slice %arg16[%dma_start3A_135, %dma_start3A_142, %dma_start3A_143] : memref<2x8x1664xf32, #tpu.memory_space<vmem>> -> memref<1x8x1664xf32, #tpu.memory_space<vmem>>
      %dma_start3A_145 = tpu.memref_squeeze %dma_start3A_144 : memref<1x8x1664xf32, #tpu.memory_space<vmem>> -> memref<8x1664xf32, #tpu.memory_space<vmem>>
      tpu.enqueue_dma source(%dma_start3A_145 : memref<8x1664xf32, #tpu.memory_space<vmem>>) target(%dma_start3A_141 : memref<8x1664xf32, #tpu.memory_space<hbm>>) target_semaphore(%arg21 : memref<!tpu.dma_semaphore, #tpu.memory_space<semaphore_mem>>)
      %dma_wait3A_146 = arith.constant 0 : i32
      %dma_wait3A_147 = tpu.memref_slice %arg2[%dma_wait3A_146] : memref<1000000xf32, #tpu.memory_space<hbm>> -> memref<8000xf32, #tpu.memory_space<hbm>>
      %dma_wait3A_148 = arith.constant 0 : i32
      %dma_wait3A_149 = tpu.memref_slice %arg2[%dma_wait3A_148] : memref<1000000xf32, #tpu.memory_space<hbm>> -> memref<8000xf32, #tpu.memory_space<hbm>>
      tpu.wait_dma2 semaphore(%arg20 : memref<!tpu.dma_semaphore, #tpu.memory_space<semaphore_mem>>) src(%dma_wait3A_149 : memref<8000xf32, #tpu.memory_space<hbm>>) dst(%arg15 : memref<8000xf32, #tpu.memory_space<vmem>>)
      %add3A_150 = arith.constant 1 : i32
      %add3A_151 = arith.addi %add3A_114, %add3A_150 : i32
      %mul3A_152 = arith.constant 8000 : i32
      %mul3A_153 = arith.muli %mul3A_152, %add3A_151 : i32
      %dma_start3A_154 = tpu.memref_slice %arg2[%mul3A_153] : memref<1000000xf32, #tpu.memory_space<hbm>> -> memref<8000xf32, #tpu.memory_space<hbm>>
      %dma_start3A_155 = tpu.memref_slice %arg2[%mul3A_153] : memref<1000000xf32, #tpu.memory_space<hbm>> -> memref<8000xf32, #tpu.memory_space<hbm>>
      tpu.enqueue_dma source(%dma_start3A_155 : memref<8000xf32, #tpu.memory_space<hbm>>) target(%arg14 : memref<8000xf32, #tpu.memory_space<vmem>>) target_semaphore(%arg19 : memref<!tpu.dma_semaphore, #tpu.memory_space<semaphore_mem>>)
      %gt3A_156 = arith.constant 0 : i32
      %gt3A_157 = arith.cmpi sgt, %scan3A_110, %gt3A_156 : i32
      %convert_element_type3A_158 = arith.extui %gt3A_157 : i1 to i32
      %cond3A_159 = arith.constant 0 : i32
      %cond3A_160 = arith.cmpi ne, %convert_element_type3A_158, %cond3A_159 : i32
      scf.if %cond3A_160 {
        %dma_wait3A_188 = arith.constant 1 : i32
        %dma_wait3A_189 = arith.constant 0 : i32
        %dma_wait3A_190 = arith.constant 0 : i32
        %dma_wait3A_191 = tpu.memref_slice %arg16[%dma_wait3A_188, %dma_wait3A_189, %dma_wait3A_190] : memref<2x8x1664xf32, #tpu.memory_space<vmem>> -> memref<1x8x1664xf32, #tpu.memory_space<vmem>>
        %dma_wait3A_192 = tpu.memref_squeeze %dma_wait3A_191 : memref<1x8x1664xf32, #tpu.memory_space<vmem>> -> memref<8x1664xf32, #tpu.memory_space<vmem>>
        %dma_wait3A_193 = arith.constant 0 : i32
        %dma_wait3A_194 = tpu.memref_slice %arg8[%dma_wait3A_193, %mul3A_20] : memref<1000x51200xf32, #tpu.memory_space<hbm>> -> memref<8x1664xf32, #tpu.memory_space<hbm>>
        %dma_wait3A_195 = arith.constant 0 : i32
        %dma_wait3A_196 = tpu.memref_slice %arg8[%dma_wait3A_195, %mul3A_20] : memref<1000x51200xf32, #tpu.memory_space<hbm>> -> memref<8x1664xf32, #tpu.memory_space<hbm>>
        %dma_wait3A_197 = arith.constant 0 : i32
        %dma_wait3A_198 = arith.constant 0 : i32
        %dma_wait3A_199 = tpu.memref_slice %arg16[%dma_wait3A_188, %dma_wait3A_197, %dma_wait3A_198] : memref<2x8x1664xf32, #tpu.memory_space<vmem>> -> memref<1x8x1664xf32, #tpu.memory_space<vmem>>
        %dma_wait3A_200 = tpu.memref_squeeze %dma_wait3A_199 : memref<1x8x1664xf32, #tpu.memory_space<vmem>> -> memref<8x1664xf32, #tpu.memory_space<vmem>>
        tpu.wait_dma2 semaphore(%arg22 : memref<!tpu.dma_semaphore, #tpu.memory_space<semaphore_mem>>) src(%dma_wait3A_200 : memref<8x1664xf32, #tpu.memory_space<vmem>>) dst(%dma_wait3A_196 : memref<8x1664xf32, #tpu.memory_space<hbm>>)
      } else {
      }
      %lt3A_161 = arith.constant 49 : i32
      %lt3A_162 = arith.cmpi slt, %scan3A_110, %lt3A_161 : i32
      %convert_element_type3A_163 = arith.extui %lt3A_162 : i1 to i32
      %cond3A_164 = arith.constant 0 : i32
      %cond3A_165 = arith.cmpi ne, %convert_element_type3A_163, %cond3A_164 : i32
      scf.if %cond3A_165 {
        %mul3A_188 = arith.constant 2 : i32
        %mul3A_189 = arith.muli %mul3A_188, %scan3A_110 : i32
        %add3A_190 = arith.constant 2 : i32
        %add3A_191 = arith.addi %mul3A_189, %add3A_190 : i32
        %get3A_192 = arith.index_cast %add3A_191 : i32 to index
        %get3A_193 = arith.constant 0 : index
        %get3A_194 = tpu.vector_load %arg11[%get3A_192, %get3A_193] {strides = array<i32>} : memref<100x16xi32, #tpu.memory_space<vmem>>, vector<16xi32>,
        %get3A_195 = arith.index_cast %add3A_191 : i32 to index
        %get3A_196 = arith.constant 0 : index
        %get3A_197 = tpu.vector_load %arg12[%get3A_195, %get3A_196] {strides = array<i32>} : memref<100x16xi32, #tpu.memory_space<vmem>>, vector<16xi32>,
        %mul3A_198 = arith.constant 8 : i32
        %mul3A_199 = vector.broadcast %mul3A_198 : i32 to vector<16xi32>
        %mul3A_200 = arith.muli %get3A_194, %mul3A_199 : vector<16xi32>
        %shift_right_logical3A_201 = arith.constant 7 : i32
        %shift_right_logical3A_202 = vector.broadcast %shift_right_logical3A_201 : i32 to vector<16xi32>
        %shift_right_logical3A_203 = arith.shrui %get3A_197, %shift_right_logical3A_202 : vector<16xi32>
        %add3A_204 = arith.addi %mul3A_200, %shift_right_logical3A_203 : vector<16xi32>
        %dma_start3A_205 = arith.constant 0 : i32
        %dma_start3A_206 = arith.constant 0 : i32
        %dma_start3A_207 = arith.constant 0 : i32
        %dma_start3A_208 = tpu.memref_slice %arg17[%dma_start3A_205, %dma_start3A_206, %dma_start3A_207] : memref<2x16x128xf32, #tpu.memory_space<vmem>> -> memref<1x16x128xf32, #tpu.memory_space<vmem>>
        %dma_start3A_209 = tpu.memref_squeeze %dma_start3A_208 : memref<1x16x128xf32, #tpu.memory_space<vmem>> -> memref<16x128xf32, #tpu.memory_space<vmem>>
        %dma_start3A_210 = arith.constant 0 : i32
        %dma_start3A_211 = arith.constant 0 : i32
        %dma_start3A_212 = tpu.memref_slice %arg3[%dma_start3A_210, %dma_start3A_211] : memref<8000x128xf32, #tpu.memory_space<hbm>> -> memref<8000x128xf32, #tpu.memory_space<hbm>>
        tpu.enqueue_indirect_dma source(%dma_start3A_212 : memref<8000x128xf32, #tpu.memory_space<hbm>>) target(%dma_start3A_209 : memref<16x128xf32, #tpu.memory_space<vmem>>) offsets(%add3A_204 : vector<16xi32>) semaphore(%arg23 : memref<!tpu.dma_semaphore, #tpu.memory_space<semaphore_mem>>)
      } else {
      }
      %lt3A_166 = arith.constant 50 : i32
      %lt3A_167 = arith.cmpi slt, %scan3A_110, %lt3A_166 : i32
      %convert_element_type3A_168 = arith.extui %lt3A_167 : i1 to i32
      %cond3A_169 = arith.constant 0 : i32
      %cond3A_170 = arith.cmpi ne, %convert_element_type3A_168, %cond3A_169 : i32
      scf.if %cond3A_170 {
        %mul3A_188 = arith.constant 2 : i32
        %mul3A_189 = arith.muli %mul3A_188, %scan3A_110 : i32
        %add3A_190 = arith.constant 1 : i32
        %add3A_191 = arith.addi %mul3A_189, %add3A_190 : i32
        %dma_wait3A_192 = arith.constant 1 : i32
        %dma_wait3A_193 = arith.constant 0 : i32
        %dma_wait3A_194 = arith.constant 0 : i32
        %dma_wait3A_195 = tpu.memref_slice %arg17[%dma_wait3A_192, %dma_wait3A_193, %dma_wait3A_194] : memref<2x16x128xf32, #tpu.memory_space<vmem>> -> memref<1x16x128xf32, #tpu.memory_space<vmem>>
        %dma_wait3A_196 = tpu.memref_squeeze %dma_wait3A_195 : memref<1x16x128xf32, #tpu.memory_space<vmem>> -> memref<16x128xf32, #tpu.memory_space<vmem>>
        %dma_wait3A_197 = arith.constant 0 : i32
        %dma_wait3A_198 = arith.constant 0 : i32
        %dma_wait3A_199 = tpu.memref_slice %arg3[%dma_wait3A_197, %dma_wait3A_198] : memref<8000x128xf32, #tpu.memory_space<hbm>> -> memref<16x128xf32, #tpu.memory_space<hbm>>
        %dma_wait3A_200 = arith.constant 0 : i32
        %dma_wait3A_201 = arith.constant 0 : i32
        %dma_wait3A_202 = tpu.memref_slice %arg17[%dma_wait3A_192, %dma_wait3A_200, %dma_wait3A_201] : memref<2x16x128xf32, #tpu.memory_space<vmem>> -> memref<1x16x128xf32, #tpu.memory_space<vmem>>
        %dma_wait3A_203 = tpu.memref_squeeze %dma_wait3A_202 : memref<1x16x128xf32, #tpu.memory_space<vmem>> -> memref<16x128xf32, #tpu.memory_space<vmem>>
        %dma_wait3A_204 = arith.constant 0 : i32
        %dma_wait3A_205 = arith.constant 0 : i32
        %dma_wait3A_206 = tpu.memref_slice %arg3[%dma_wait3A_204, %dma_wait3A_205] : memref<8000x128xf32, #tpu.memory_space<hbm>> -> memref<16x128xf32, #tpu.memory_space<hbm>>
        tpu.wait_dma2 semaphore(%arg24 : memref<!tpu.dma_semaphore, #tpu.memory_space<semaphore_mem>>) src(%dma_wait3A_206 : memref<16x128xf32, #tpu.memory_space<hbm>>) dst(%dma_wait3A_203 : memref<16x128xf32, #tpu.memory_space<vmem>>)
        %get3A_207 = arith.index_cast %add3A_191 : i32 to index
        %get3A_208 = arith.constant 0 : index
        %get3A_209 = tpu.vector_load %arg11[%get3A_207, %get3A_208] {strides = array<i32>} : memref<100x16xi32, #tpu.memory_space<vmem>>, vector<16xi32>,
        %get3A_210 = arith.index_cast %add3A_191 : i32 to index
        %get3A_211 = arith.constant 0 : index
        %get3A_212 = tpu.vector_load %arg12[%get3A_210, %get3A_211] {strides = array<i32>} : memref<100x16xi32, #tpu.memory_space<vmem>>, vector<16xi32>,
        %and3A_213 = arith.constant 127 : i32
        %and3A_214 = vector.broadcast %and3A_213 : i32 to vector<16xi32>
        %and3A_215 = arith.andi %get3A_212, %and3A_214 : vector<16xi32>
        %gather3A = arith.constant 1 : i32
        %gather3A_216 = arith.constant 0 : i32
        %gather3A_217 = arith.constant 0 : i32
        %gather3A_218 = tpu.memref_slice %arg17[%gather3A, %gather3A_216, %gather3A_217] : memref<2x16x128xf32, #tpu.memory_space<vmem>> -> memref<1x16x128xf32, #tpu.memory_space<vmem>>
        %gather3A_219 = tpu.memref_squeeze %gather3A_218 : memref<1x16x128xf32, #tpu.memory_space<vmem>> -> memref<16x128xf32, #tpu.memory_space<vmem>>
        %gather3A_220 = tpu.vector_load_idx %gather3A_219[%iota3A, %and3A_215] : memref<16x128xf32, #tpu.memory_space<vmem>>[vector<16xi32>, vector<16xi32>], vector<16xf32>,
        %gather3A_221 = tpu.vector_load_idx %arg13[%get3A_209] : memref<1000xf32, #tpu.memory_space<vmem>>[vector<16xi32>], vector<16xf32>,
        %get3A_222 = arith.constant 0 : index
        %get3A_223 = tpu.vector_load %arg18[%get3A_222] {strides = array<i32>} : memref<16xf32, #tpu.memory_space<vmem>>, vector<16xf32>,
        %sub3A_224 = arith.subf %gather3A_221, %gather3A_220 : vector<16xf32>
        %add3A_225 = arith.addf %get3A_223, %sub3A_224 : vector<16xf32>
        %swap3A_226 = arith.constant 0 : index
        %swap3A_227 = tpu.vector_load %arg18[%swap3A_226] {strides = array<i32>} : memref<16xf32, #tpu.memory_space<vmem>>, vector<16xf32>,
        tpu.vector_store %arg18[%swap3A_226], %add3A_225 {strides = array<i32>} : memref<16xf32, #tpu.memory_space<vmem>>, vector<16xf32>,
      } else {
      }
      %parallel_loop3A_171 = arith.constant 0 : i32
      %parallel_loop3A_172 = arith.constant 104 : i32
      %parallel_loop3A_173 = arith.constant 1 : i32
      %parallel_loop3A_174 = arith.constant 1 : i32
      scf.for %parallel_loop3A_188 = %parallel_loop3A_171 to %parallel_loop3A_172 step %parallel_loop3A_173  : i32 {
        %parallel_loop3A_189 = arith.constant 8 : i32
        %parallel_loop3A_190 = arith.divsi %parallel_loop3A_188, %parallel_loop3A_189 : i32
        %parallel_loop3A_191 = arith.constant 0 : i32
        %parallel_loop3A_192 = arith.cmpi sgt, %parallel_loop3A_188, %parallel_loop3A_191 : i32
        %parallel_loop3A_193 = arith.extui %parallel_loop3A_192 : i1 to i32
        %parallel_loop3A_194 = arith.constant 0 : i32
        %parallel_loop3A_195 = arith.cmpi slt, %parallel_loop3A_188, %parallel_loop3A_194 : i32
        %parallel_loop3A_196 = arith.extui %parallel_loop3A_195 : i1 to i32
        %parallel_loop3A_197 = arith.subi %parallel_loop3A_193, %parallel_loop3A_196 : i32
        %parallel_loop3A_198 = arith.constant 0 : i32
        %parallel_loop3A_199 = arith.cmpi sgt, %parallel_loop3A_189, %parallel_loop3A_198 : i32
        %parallel_loop3A_200 = arith.extui %parallel_loop3A_199 : i1 to i32
        %parallel_loop3A_201 = arith.constant 0 : i32
        %parallel_loop3A_202 = arith.cmpi slt, %parallel_loop3A_189, %parallel_loop3A_201 : i32
        %parallel_loop3A_203 = arith.extui %parallel_loop3A_202 : i1 to i32
        %parallel_loop3A_204 = arith.subi %parallel_loop3A_200, %parallel_loop3A_203 : i32
        %parallel_loop3A_205 = arith.cmpi ne, %parallel_loop3A_197, %parallel_loop3A_204 : i32
        %parallel_loop3A_206 = arith.remsi %parallel_loop3A_188, %parallel_loop3A_189 : i32
        %parallel_loop3A_207 = arith.constant 0 : i32
        %parallel_loop3A_208 = arith.cmpi ne, %parallel_loop3A_206, %parallel_loop3A_207 : i32
        %parallel_loop3A_209 = arith.andi %parallel_loop3A_205, %parallel_loop3A_208 : i1
        %parallel_loop3A_210 = arith.constant 1 : i32
        %parallel_loop3A_211 = arith.subi %parallel_loop3A_190, %parallel_loop3A_210 : i32
        %parallel_loop3A_212 = arith.select %parallel_loop3A_209, %parallel_loop3A_211, %parallel_loop3A_190 : i32
        %parallel_loop3A_213 = arith.constant 8 : i32
        %parallel_loop3A_214 = arith.constant 0 : i32
        %parallel_loop3A_215 = arith.cmpi eq, %parallel_loop3A_213, %parallel_loop3A_214 : i32
        %parallel_loop3A_216 = arith.constant 1 : i32
        %parallel_loop3A_217 = arith.select %parallel_loop3A_215, %parallel_loop3A_216, %parallel_loop3A_213 : i32
        %parallel_loop3A_218 = arith.remsi %parallel_loop3A_188, %parallel_loop3A_217 : i32
        %parallel_loop3A_219 = arith.constant 0 : i32
        %parallel_loop3A_220 = arith.cmpi ne, %parallel_loop3A_218, %parallel_loop3A_219 : i32
        %parallel_loop3A_221 = arith.constant 0 : i32
        %parallel_loop3A_222 = arith.cmpi slt, %parallel_loop3A_218, %parallel_loop3A_221 : i32
        %parallel_loop3A_223 = arith.constant 0 : i32
        %parallel_loop3A_224 = arith.cmpi slt, %parallel_loop3A_217, %parallel_loop3A_223 : i32
        %parallel_loop3A_225 = arith.xori %parallel_loop3A_222, %parallel_loop3A_224 : i1
        %parallel_loop3A_226 = arith.andi %parallel_loop3A_225, %parallel_loop3A_220 : i1
        %parallel_loop3A_227 = arith.addi %parallel_loop3A_218, %parallel_loop3A_217 : i32
        %parallel_loop3A_228 = arith.select %parallel_loop3A_226, %parallel_loop3A_227, %parallel_loop3A_218 : i32
        %parallel_loop3A_229 = arith.constant 16 : i32
        %parallel_loop3A_230 = arith.muli %parallel_loop3A_229, %parallel_loop3A_228 : i32
        %parallel_loop3A_231 = arith.index_cast %parallel_loop3A_212 : i32 to index
        %parallel_loop3A_232 = arith.index_cast %parallel_loop3A_230 : i32 to index
        %parallel_loop3A_233 = tpu.vector_load %arg10[%parallel_loop3A_231, %parallel_loop3A_232] {strides = array<i32>} : memref<13x128xi32, #tpu.memory_space<vmem>>, vector<16xi32>,
        %parallel_loop3A_234 = arith.constant 0 : i32
        %parallel_loop3A_235 = vector.broadcast %parallel_loop3A_234 : i32 to vector<16xi32>
        %parallel_loop3A_236 = arith.addi %parallel_loop3A_233, %parallel_loop3A_235 : vector<16xi32>
        %parallel_loop3A_237 = tpu.vector_load_idx %arg15[%parallel_loop3A_236] : memref<8000xf32, #tpu.memory_space<vmem>>[vector<16xi32>], vector<16xf32>,
        %parallel_loop3A_238 = arith.constant 128 : i32
        %parallel_loop3A_239 = arith.muli %parallel_loop3A_238, %parallel_loop3A_212 : i32
        %parallel_loop3A_240 = arith.constant 16 : i32
        %parallel_loop3A_241 = arith.muli %parallel_loop3A_240, %parallel_loop3A_228 : i32
        %parallel_loop3A_242 = arith.addi %parallel_loop3A_239, %parallel_loop3A_241 : i32
        %parallel_loop3A_243 = arith.constant 0 : i32
        %parallel_loop3A_244 = arith.constant 0 : i32
        %parallel_loop3A_245 = arith.constant 0 : i32
        %parallel_loop3A_246 = tpu.memref_slice %arg16[%parallel_loop3A_174, %parallel_loop3A_244, %parallel_loop3A_245] : memref<2x8x1664xf32, #tpu.memory_space<vmem>> -> memref<1x8x1664xf32, #tpu.memory_space<vmem>>
        %parallel_loop3A_247 = tpu.memref_squeeze %parallel_loop3A_246 : memref<1x8x1664xf32, #tpu.memory_space<vmem>> -> memref<8x1664xf32, #tpu.memory_space<vmem>>
        %parallel_loop3A_248 = arith.index_cast %parallel_loop3A_243 : i32 to index
        %parallel_loop3A_249 = arith.index_cast %parallel_loop3A_242 : i32 to index
        %parallel_loop3A_250 = tpu.vector_load %parallel_loop3A_247[%parallel_loop3A_248, %parallel_loop3A_249] {strides = array<i32>} : memref<8x1664xf32, #tpu.memory_space<vmem>>, vector<16xf32>,
        tpu.vector_store %parallel_loop3A_247[%parallel_loop3A_248, %parallel_loop3A_249], %parallel_loop3A_237 {strides = array<i32>} : memref<8x1664xf32, #tpu.memory_space<vmem>>, vector<16xf32>,
        %parallel_loop3A_251 = arith.constant 1000 : i32
        %parallel_loop3A_252 = vector.broadcast %parallel_loop3A_251 : i32 to vector<16xi32>
        %parallel_loop3A_253 = arith.addi %parallel_loop3A_233, %parallel_loop3A_252 : vector<16xi32>
        %parallel_loop3A_254 = tpu.vector_load_idx %arg15[%parallel_loop3A_253] : memref<8000xf32, #tpu.memory_space<vmem>>[vector<16xi32>], vector<16xf32>,
        %parallel_loop3A_255 = arith.constant 128 : i32
        %parallel_loop3A_256 = arith.muli %parallel_loop3A_255, %parallel_loop3A_212 : i32
        %parallel_loop3A_257 = arith.constant 16 : i32
        %parallel_loop3A_258 = arith.muli %parallel_loop3A_257, %parallel_loop3A_228 : i32
        %parallel_loop3A_259 = arith.addi %parallel_loop3A_256, %parallel_loop3A_258 : i32
        %parallel_loop3A_260 = arith.constant 1 : i32
        %parallel_loop3A_261 = arith.constant 0 : i32
        %parallel_loop3A_262 = arith.constant 0 : i32
        %parallel_loop3A_263 = tpu.memref_slice %arg16[%parallel_loop3A_174, %parallel_loop3A_261, %parallel_loop3A_262] : memref<2x8x1664xf32, #tpu.memory_space<vmem>> -> memref<1x8x1664xf32, #tpu.memory_space<vmem>>
        %parallel_loop3A_264 = tpu.memref_squeeze %parallel_loop3A_263 : memref<1x8x1664xf32, #tpu.memory_space<vmem>> -> memref<8x1664xf32, #tpu.memory_space<vmem>>
        %parallel_loop3A_265 = arith.index_cast %parallel_loop3A_260 : i32 to index
        %parallel_loop3A_266 = arith.index_cast %parallel_loop3A_259 : i32 to index
        %parallel_loop3A_267 = tpu.vector_load %parallel_loop3A_264[%parallel_loop3A_265, %parallel_loop3A_266] {strides = array<i32>} : memref<8x1664xf32, #tpu.memory_space<vmem>>, vector<16xf32>,
        tpu.vector_store %parallel_loop3A_264[%parallel_loop3A_265, %parallel_loop3A_266], %parallel_loop3A_254 {strides = array<i32>} : memref<8x1664xf32, #tpu.memory_space<vmem>>, vector<16xf32>,
        %parallel_loop3A_268 = arith.constant 2000 : i32
        %parallel_loop3A_269 = vector.broadcast %parallel_loop3A_268 : i32 to vector<16xi32>
        %parallel_loop3A_270 = arith.addi %parallel_loop3A_233, %parallel_loop3A_269 : vector<16xi32>
        %parallel_loop3A_271 = tpu.vector_load_idx %arg15[%parallel_loop3A_270] : memref<8000xf32, #tpu.memory_space<vmem>>[vector<16xi32>], vector<16xf32>,
        %parallel_loop3A_272 = arith.constant 128 : i32
        %parallel_loop3A_273 = arith.muli %parallel_loop3A_272, %parallel_loop3A_212 : i32
        %parallel_loop3A_274 = arith.constant 16 : i32
        %parallel_loop3A_275 = arith.muli %parallel_loop3A_274, %parallel_loop3A_228 : i32
        %parallel_loop3A_276 = arith.addi %parallel_loop3A_273, %parallel_loop3A_275 : i32
        %parallel_loop3A_277 = arith.constant 2 : i32
        %parallel_loop3A_278 = arith.constant 0 : i32
        %parallel_loop3A_279 = arith.constant 0 : i32
        %parallel_loop3A_280 = tpu.memref_slice %arg16[%parallel_loop3A_174, %parallel_loop3A_278, %parallel_loop3A_279] : memref<2x8x1664xf32, #tpu.memory_space<vmem>> -> memref<1x8x1664xf32, #tpu.memory_space<vmem>>
        %parallel_loop3A_281 = tpu.memref_squeeze %parallel_loop3A_280 : memref<1x8x1664xf32, #tpu.memory_space<vmem>> -> memref<8x1664xf32, #tpu.memory_space<vmem>>
        %parallel_loop3A_282 = arith.index_cast %parallel_loop3A_277 : i32 to index
        %parallel_loop3A_283 = arith.index_cast %parallel_loop3A_276 : i32 to index
        %parallel_loop3A_284 = tpu.vector_load %parallel_loop3A_281[%parallel_loop3A_282, %parallel_loop3A_283] {strides = array<i32>} : memref<8x1664xf32, #tpu.memory_space<vmem>>, vector<16xf32>,
        tpu.vector_store %parallel_loop3A_281[%parallel_loop3A_282, %parallel_loop3A_283], %parallel_loop3A_271 {strides = array<i32>} : memref<8x1664xf32, #tpu.memory_space<vmem>>, vector<16xf32>,
        %parallel_loop3A_285 = arith.constant 3000 : i32
        %parallel_loop3A_286 = vector.broadcast %parallel_loop3A_285 : i32 to vector<16xi32>
        %parallel_loop3A_287 = arith.addi %parallel_loop3A_233, %parallel_loop3A_286 : vector<16xi32>
        %parallel_loop3A_288 = tpu.vector_load_idx %arg15[%parallel_loop3A_287] : memref<8000xf32, #tpu.memory_space<vmem>>[vector<16xi32>], vector<16xf32>,
        %parallel_loop3A_289 = arith.constant 128 : i32
        %parallel_loop3A_290 = arith.muli %parallel_loop3A_289, %parallel_loop3A_212 : i32
        %parallel_loop3A_291 = arith.constant 16 : i32
        %parallel_loop3A_292 = arith.muli %parallel_loop3A_291, %parallel_loop3A_228 : i32
        %parallel_loop3A_293 = arith.addi %parallel_loop3A_290, %parallel_loop3A_292 : i32
        %parallel_loop3A_294 = arith.constant 3 : i32
        %parallel_loop3A_295 = arith.constant 0 : i32
        %parallel_loop3A_296 = arith.constant 0 : i32
        %parallel_loop3A_297 = tpu.memref_slice %arg16[%parallel_loop3A_174, %parallel_loop3A_295, %parallel_loop3A_296] : memref<2x8x1664xf32, #tpu.memory_space<vmem>> -> memref<1x8x1664xf32, #tpu.memory_space<vmem>>
        %parallel_loop3A_298 = tpu.memref_squeeze %parallel_loop3A_297 : memref<1x8x1664xf32, #tpu.memory_space<vmem>> -> memref<8x1664xf32, #tpu.memory_space<vmem>>
        %parallel_loop3A_299 = arith.index_cast %parallel_loop3A_294 : i32 to index
        %parallel_loop3A_300 = arith.index_cast %parallel_loop3A_293 : i32 to index
        %parallel_loop3A_301 = tpu.vector_load %parallel_loop3A_298[%parallel_loop3A_299, %parallel_loop3A_300] {strides = array<i32>} : memref<8x1664xf32, #tpu.memory_space<vmem>>, vector<16xf32>,
        tpu.vector_store %parallel_loop3A_298[%parallel_loop3A_299, %parallel_loop3A_300], %parallel_loop3A_288 {strides = array<i32>} : memref<8x1664xf32, #tpu.memory_space<vmem>>, vector<16xf32>,
        %parallel_loop3A_302 = arith.constant 4000 : i32
        %parallel_loop3A_303 = vector.broadcast %parallel_loop3A_302 : i32 to vector<16xi32>
        %parallel_loop3A_304 = arith.addi %parallel_loop3A_233, %parallel_loop3A_303 : vector<16xi32>
        %parallel_loop3A_305 = tpu.vector_load_idx %arg15[%parallel_loop3A_304] : memref<8000xf32, #tpu.memory_space<vmem>>[vector<16xi32>], vector<16xf32>,
        %parallel_loop3A_306 = arith.constant 128 : i32
        %parallel_loop3A_307 = arith.muli %parallel_loop3A_306, %parallel_loop3A_212 : i32
        %parallel_loop3A_308 = arith.constant 16 : i32
        %parallel_loop3A_309 = arith.muli %parallel_loop3A_308, %parallel_loop3A_228 : i32
        %parallel_loop3A_310 = arith.addi %parallel_loop3A_307, %parallel_loop3A_309 : i32
        %parallel_loop3A_311 = arith.constant 4 : i32
        %parallel_loop3A_312 = arith.constant 0 : i32
        %parallel_loop3A_313 = arith.constant 0 : i32
        %parallel_loop3A_314 = tpu.memref_slice %arg16[%parallel_loop3A_174, %parallel_loop3A_312, %parallel_loop3A_313] : memref<2x8x1664xf32, #tpu.memory_space<vmem>> -> memref<1x8x1664xf32, #tpu.memory_space<vmem>>
        %parallel_loop3A_315 = tpu.memref_squeeze %parallel_loop3A_314 : memref<1x8x1664xf32, #tpu.memory_space<vmem>> -> memref<8x1664xf32, #tpu.memory_space<vmem>>
        %parallel_loop3A_316 = arith.index_cast %parallel_loop3A_311 : i32 to index
        %parallel_loop3A_317 = arith.index_cast %parallel_loop3A_310 : i32 to index
        %parallel_loop3A_318 = tpu.vector_load %parallel_loop3A_315[%parallel_loop3A_316, %parallel_loop3A_317] {strides = array<i32>} : memref<8x1664xf32, #tpu.memory_space<vmem>>, vector<16xf32>,
        tpu.vector_store %parallel_loop3A_315[%parallel_loop3A_316, %parallel_loop3A_317], %parallel_loop3A_305 {strides = array<i32>} : memref<8x1664xf32, #tpu.memory_space<vmem>>, vector<16xf32>,
        %parallel_loop3A_319 = arith.constant 5000 : i32
        %parallel_loop3A_320 = vector.broadcast %parallel_loop3A_319 : i32 to vector<16xi32>
        %parallel_loop3A_321 = arith.addi %parallel_loop3A_233, %parallel_loop3A_320 : vector<16xi32>
        %parallel_loop3A_322 = tpu.vector_load_idx %arg15[%parallel_loop3A_321] : memref<8000xf32, #tpu.memory_space<vmem>>[vector<16xi32>], vector<16xf32>,
        %parallel_loop3A_323 = arith.constant 128 : i32
        %parallel_loop3A_324 = arith.muli %parallel_loop3A_323, %parallel_loop3A_212 : i32
        %parallel_loop3A_325 = arith.constant 16 : i32
        %parallel_loop3A_326 = arith.muli %parallel_loop3A_325, %parallel_loop3A_228 : i32
        %parallel_loop3A_327 = arith.addi %parallel_loop3A_324, %parallel_loop3A_326 : i32
        %parallel_loop3A_328 = arith.constant 5 : i32
        %parallel_loop3A_329 = arith.constant 0 : i32
        %parallel_loop3A_330 = arith.constant 0 : i32
        %parallel_loop3A_331 = tpu.memref_slice %arg16[%parallel_loop3A_174, %parallel_loop3A_329, %parallel_loop3A_330] : memref<2x8x1664xf32, #tpu.memory_space<vmem>> -> memref<1x8x1664xf32, #tpu.memory_space<vmem>>
        %parallel_loop3A_332 = tpu.memref_squeeze %parallel_loop3A_331 : memref<1x8x1664xf32, #tpu.memory_space<vmem>> -> memref<8x1664xf32, #tpu.memory_space<vmem>>
        %parallel_loop3A_333 = arith.index_cast %parallel_loop3A_328 : i32 to index
        %parallel_loop3A_334 = arith.index_cast %parallel_loop3A_327 : i32 to index
        %parallel_loop3A_335 = tpu.vector_load %parallel_loop3A_332[%parallel_loop3A_333, %parallel_loop3A_334] {strides = array<i32>} : memref<8x1664xf32, #tpu.memory_space<vmem>>, vector<16xf32>,
        tpu.vector_store %parallel_loop3A_332[%parallel_loop3A_333, %parallel_loop3A_334], %parallel_loop3A_322 {strides = array<i32>} : memref<8x1664xf32, #tpu.memory_space<vmem>>, vector<16xf32>,
        %parallel_loop3A_336 = arith.constant 6000 : i32
        %parallel_loop3A_337 = vector.broadcast %parallel_loop3A_336 : i32 to vector<16xi32>
        %parallel_loop3A_338 = arith.addi %parallel_loop3A_233, %parallel_loop3A_337 : vector<16xi32>
        %parallel_loop3A_339 = tpu.vector_load_idx %arg15[%parallel_loop3A_338] : memref<8000xf32, #tpu.memory_space<vmem>>[vector<16xi32>], vector<16xf32>,
        %parallel_loop3A_340 = arith.constant 128 : i32
        %parallel_loop3A_341 = arith.muli %parallel_loop3A_340, %parallel_loop3A_212 : i32
        %parallel_loop3A_342 = arith.constant 16 : i32
        %parallel_loop3A_343 = arith.muli %parallel_loop3A_342, %parallel_loop3A_228 : i32
        %parallel_loop3A_344 = arith.addi %parallel_loop3A_341, %parallel_loop3A_343 : i32
        %parallel_loop3A_345 = arith.constant 6 : i32
        %parallel_loop3A_346 = arith.constant 0 : i32
        %parallel_loop3A_347 = arith.constant 0 : i32
        %parallel_loop3A_348 = tpu.memref_slice %arg16[%parallel_loop3A_174, %parallel_loop3A_346, %parallel_loop3A_347] : memref<2x8x1664xf32, #tpu.memory_space<vmem>> -> memref<1x8x1664xf32, #tpu.memory_space<vmem>>
        %parallel_loop3A_349 = tpu.memref_squeeze %parallel_loop3A_348 : memref<1x8x1664xf32, #tpu.memory_space<vmem>> -> memref<8x1664xf32, #tpu.memory_space<vmem>>
        %parallel_loop3A_350 = arith.index_cast %parallel_loop3A_345 : i32 to index
        %parallel_loop3A_351 = arith.index_cast %parallel_loop3A_344 : i32 to index
        %parallel_loop3A_352 = tpu.vector_load %parallel_loop3A_349[%parallel_loop3A_350, %parallel_loop3A_351] {strides = array<i32>} : memref<8x1664xf32, #tpu.memory_space<vmem>>, vector<16xf32>,
        tpu.vector_store %parallel_loop3A_349[%parallel_loop3A_350, %parallel_loop3A_351], %parallel_loop3A_339 {strides = array<i32>} : memref<8x1664xf32, #tpu.memory_space<vmem>>, vector<16xf32>,
        %parallel_loop3A_353 = arith.constant 7000 : i32
        %parallel_loop3A_354 = vector.broadcast %parallel_loop3A_353 : i32 to vector<16xi32>
        %parallel_loop3A_355 = arith.addi %parallel_loop3A_233, %parallel_loop3A_354 : vector<16xi32>
        %parallel_loop3A_356 = tpu.vector_load_idx %arg15[%parallel_loop3A_355] : memref<8000xf32, #tpu.memory_space<vmem>>[vector<16xi32>], vector<16xf32>,
        %parallel_loop3A_357 = arith.constant 128 : i32
        %parallel_loop3A_358 = arith.muli %parallel_loop3A_357, %parallel_loop3A_212 : i32
        %parallel_loop3A_359 = arith.constant 16 : i32
        %parallel_loop3A_360 = arith.muli %parallel_loop3A_359, %parallel_loop3A_228 : i32
        %parallel_loop3A_361 = arith.addi %parallel_loop3A_358, %parallel_loop3A_360 : i32
        %parallel_loop3A_362 = arith.constant 7 : i32
        %parallel_loop3A_363 = arith.constant 0 : i32
        %parallel_loop3A_364 = arith.constant 0 : i32
        %parallel_loop3A_365 = tpu.memref_slice %arg16[%parallel_loop3A_174, %parallel_loop3A_363, %parallel_loop3A_364] : memref<2x8x1664xf32, #tpu.memory_space<vmem>> -> memref<1x8x1664xf32, #tpu.memory_space<vmem>>
        %parallel_loop3A_366 = tpu.memref_squeeze %parallel_loop3A_365 : memref<1x8x1664xf32, #tpu.memory_space<vmem>> -> memref<8x1664xf32, #tpu.memory_space<vmem>>
        %parallel_loop3A_367 = arith.index_cast %parallel_loop3A_362 : i32 to index
        %parallel_loop3A_368 = arith.index_cast %parallel_loop3A_361 : i32 to index
        %parallel_loop3A_369 = tpu.vector_load %parallel_loop3A_366[%parallel_loop3A_367, %parallel_loop3A_368] {strides = array<i32>} : memref<8x1664xf32, #tpu.memory_space<vmem>>, vector<16xf32>,
        tpu.vector_store %parallel_loop3A_366[%parallel_loop3A_367, %parallel_loop3A_368], %parallel_loop3A_356 {strides = array<i32>} : memref<8x1664xf32, #tpu.memory_space<vmem>>, vector<16xf32>,
      } {sc.loop_unroll_factor = 8 : i64, sc.parallel_access}
      %mul3A_175 = arith.constant 8 : i32
      %mul3A_176 = arith.muli %mul3A_175, %add3A_114 : i32
      %dma_start3A_177 = arith.constant 1 : i32
      %dma_start3A_178 = arith.constant 0 : i32
      %dma_start3A_179 = arith.constant 0 : i32
      %dma_start3A_180 = tpu.memref_slice %arg16[%dma_start3A_177, %dma_start3A_178, %dma_start3A_179] : memref<2x8x1664xf32, #tpu.memory_space<vmem>> -> memref<1x8x1664xf32, #tpu.memory_space<vmem>>
      %dma_start3A_181 = tpu.memref_squeeze %dma_start3A_180 : memref<1x8x1664xf32, #tpu.memory_space<vmem>> -> memref<8x1664xf32, #tpu.memory_space<vmem>>
      %dma_start3A_182 = tpu.memref_slice %arg8[%mul3A_176, %mul3A_20] : memref<1000x51200xf32, #tpu.memory_space<hbm>> -> memref<8x1664xf32, #tpu.memory_space<hbm>>
      %dma_start3A_183 = tpu.memref_slice %arg8[%mul3A_176, %mul3A_20] : memref<1000x51200xf32, #tpu.memory_space<hbm>> -> memref<8x1664xf32, #tpu.memory_space<hbm>>
      %dma_start3A_184 = arith.constant 0 : i32
      %dma_start3A_185 = arith.constant 0 : i32
      %dma_start3A_186 = tpu.memref_slice %arg16[%dma_start3A_177, %dma_start3A_184, %dma_start3A_185] : memref<2x8x1664xf32, #tpu.memory_space<vmem>> -> memref<1x8x1664xf32, #tpu.memory_space<vmem>>
      %dma_start3A_187 = tpu.memref_squeeze %dma_start3A_186 : memref<1x8x1664xf32, #tpu.memory_space<vmem>> -> memref<8x1664xf32, #tpu.memory_space<vmem>>
      tpu.enqueue_dma source(%dma_start3A_187 : memref<8x1664xf32, #tpu.memory_space<vmem>>) target(%dma_start3A_183 : memref<8x1664xf32, #tpu.memory_space<hbm>>) target_semaphore(%arg22 : memref<!tpu.dma_semaphore, #tpu.memory_space<semaphore_mem>>)
    }
    %scan3A_51 = arith.constant 62 : i32
    %dma_wait3A = arith.constant 0 : i32
    %dma_wait3A_52 = tpu.memref_slice %arg2[%dma_wait3A] : memref<1000000xf32, #tpu.memory_space<hbm>> -> memref<8000xf32, #tpu.memory_space<hbm>>
    %dma_wait3A_53 = arith.constant 0 : i32
    %dma_wait3A_54 = tpu.memref_slice %arg2[%dma_wait3A_53] : memref<1000000xf32, #tpu.memory_space<hbm>> -> memref<8000xf32, #tpu.memory_space<hbm>>
    tpu.wait_dma2 semaphore(%arg19 : memref<!tpu.dma_semaphore, #tpu.memory_space<semaphore_mem>>) src(%dma_wait3A_54 : memref<8000xf32, #tpu.memory_space<hbm>>) dst(%arg14 : memref<8000xf32, #tpu.memory_space<vmem>>)
    %dma_wait3A_55 = arith.constant 0 : i32
    %dma_wait3A_56 = arith.constant 0 : i32
    %dma_wait3A_57 = arith.constant 0 : i32
    %dma_wait3A_58 = tpu.memref_slice %arg16[%dma_wait3A_55, %dma_wait3A_56, %dma_wait3A_57] : memref<2x8x1664xf32, #tpu.memory_space<vmem>> -> memref<1x8x1664xf32, #tpu.memory_space<vmem>>
    %dma_wait3A_59 = tpu.memref_squeeze %dma_wait3A_58 : memref<1x8x1664xf32, #tpu.memory_space<vmem>> -> memref<8x1664xf32, #tpu.memory_space<vmem>>
    %dma_wait3A_60 = arith.constant 0 : i32
    %dma_wait3A_61 = tpu.memref_slice %arg8[%dma_wait3A_60, %mul3A_20] : memref<1000x51200xf32, #tpu.memory_space<hbm>> -> memref<8x1664xf32, #tpu.memory_space<hbm>>
    %dma_wait3A_62 = arith.constant 0 : i32
    %dma_wait3A_63 = tpu.memref_slice %arg8[%dma_wait3A_62, %mul3A_20] : memref<1000x51200xf32, #tpu.memory_space<hbm>> -> memref<8x1664xf32, #tpu.memory_space<hbm>>
    %dma_wait3A_64 = arith.constant 0 : i32
    %dma_wait3A_65 = arith.constant 0 : i32
    %dma_wait3A_66 = tpu.memref_slice %arg16[%dma_wait3A_55, %dma_wait3A_64, %dma_wait3A_65] : memref<2x8x1664xf32, #tpu.memory_space<vmem>> -> memref<1x8x1664xf32, #tpu.memory_space<vmem>>
    %dma_wait3A_67 = tpu.memref_squeeze %dma_wait3A_66 : memref<1x8x1664xf32, #tpu.memory_space<vmem>> -> memref<8x1664xf32, #tpu.memory_space<vmem>>
    tpu.wait_dma2 semaphore(%arg21 : memref<!tpu.dma_semaphore, #tpu.memory_space<semaphore_mem>>) src(%dma_wait3A_67 : memref<8x1664xf32, #tpu.memory_space<vmem>>) dst(%dma_wait3A_63 : memref<8x1664xf32, #tpu.memory_space<hbm>>)
    %parallel_loop3A = arith.constant 0 : i32
    %parallel_loop3A_68 = arith.constant 104 : i32
    %parallel_loop3A_69 = arith.constant 1 : i32
    %parallel_loop3A_70 = arith.constant 0 : i32
    scf.for %parallel_loop3A_110 = %parallel_loop3A to %parallel_loop3A_68 step %parallel_loop3A_69  : i32 {
      %parallel_loop3A_111 = arith.constant 8 : i32
      %parallel_loop3A_112 = arith.divsi %parallel_loop3A_110, %parallel_loop3A_111 : i32
      %parallel_loop3A_113 = arith.constant 0 : i32
      %parallel_loop3A_114 = arith.cmpi sgt, %parallel_loop3A_110, %parallel_loop3A_113 : i32
      %parallel_loop3A_115 = arith.extui %parallel_loop3A_114 : i1 to i32
      %parallel_loop3A_116 = arith.constant 0 : i32
      %parallel_loop3A_117 = arith.cmpi slt, %parallel_loop3A_110, %parallel_loop3A_116 : i32
      %parallel_loop3A_118 = arith.extui %parallel_loop3A_117 : i1 to i32
      %parallel_loop3A_119 = arith.subi %parallel_loop3A_115, %parallel_loop3A_118 : i32
      %parallel_loop3A_120 = arith.constant 0 : i32
      %parallel_loop3A_121 = arith.cmpi sgt, %parallel_loop3A_111, %parallel_loop3A_120 : i32
      %parallel_loop3A_122 = arith.extui %parallel_loop3A_121 : i1 to i32
      %parallel_loop3A_123 = arith.constant 0 : i32
      %parallel_loop3A_124 = arith.cmpi slt, %parallel_loop3A_111, %parallel_loop3A_123 : i32
      %parallel_loop3A_125 = arith.extui %parallel_loop3A_124 : i1 to i32
      %parallel_loop3A_126 = arith.subi %parallel_loop3A_122, %parallel_loop3A_125 : i32
      %parallel_loop3A_127 = arith.cmpi ne, %parallel_loop3A_119, %parallel_loop3A_126 : i32
      %parallel_loop3A_128 = arith.remsi %parallel_loop3A_110, %parallel_loop3A_111 : i32
      %parallel_loop3A_129 = arith.constant 0 : i32
      %parallel_loop3A_130 = arith.cmpi ne, %parallel_loop3A_128, %parallel_loop3A_129 : i32
      %parallel_loop3A_131 = arith.andi %parallel_loop3A_127, %parallel_loop3A_130 : i1
      %parallel_loop3A_132 = arith.constant 1 : i32
      %parallel_loop3A_133 = arith.subi %parallel_loop3A_112, %parallel_loop3A_132 : i32
      %parallel_loop3A_134 = arith.select %parallel_loop3A_131, %parallel_loop3A_133, %parallel_loop3A_112 : i32
      %parallel_loop3A_135 = arith.constant 8 : i32
      %parallel_loop3A_136 = arith.constant 0 : i32
      %parallel_loop3A_137 = arith.cmpi eq, %parallel_loop3A_135, %parallel_loop3A_136 : i32
      %parallel_loop3A_138 = arith.constant 1 : i32
      %parallel_loop3A_139 = arith.select %parallel_loop3A_137, %parallel_loop3A_138, %parallel_loop3A_135 : i32
      %parallel_loop3A_140 = arith.remsi %parallel_loop3A_110, %parallel_loop3A_139 : i32
      %parallel_loop3A_141 = arith.constant 0 : i32
      %parallel_loop3A_142 = arith.cmpi ne, %parallel_loop3A_140, %parallel_loop3A_141 : i32
      %parallel_loop3A_143 = arith.constant 0 : i32
      %parallel_loop3A_144 = arith.cmpi slt, %parallel_loop3A_140, %parallel_loop3A_143 : i32
      %parallel_loop3A_145 = arith.constant 0 : i32
      %parallel_loop3A_146 = arith.cmpi slt, %parallel_loop3A_139, %parallel_loop3A_145 : i32
      %parallel_loop3A_147 = arith.xori %parallel_loop3A_144, %parallel_loop3A_146 : i1
      %parallel_loop3A_148 = arith.andi %parallel_loop3A_147, %parallel_loop3A_142 : i1
      %parallel_loop3A_149 = arith.addi %parallel_loop3A_140, %parallel_loop3A_139 : i32
      %parallel_loop3A_150 = arith.select %parallel_loop3A_148, %parallel_loop3A_149, %parallel_loop3A_140 : i32
      %parallel_loop3A_151 = arith.constant 16 : i32
      %parallel_loop3A_152 = arith.muli %parallel_loop3A_151, %parallel_loop3A_150 : i32
      %parallel_loop3A_153 = arith.index_cast %parallel_loop3A_134 : i32 to index
      %parallel_loop3A_154 = arith.index_cast %parallel_loop3A_152 : i32 to index
      %parallel_loop3A_155 = tpu.vector_load %arg10[%parallel_loop3A_153, %parallel_loop3A_154] {strides = array<i32>} : memref<13x128xi32, #tpu.memory_space<vmem>>, vector<16xi32>,
      %parallel_loop3A_156 = arith.constant 0 : i32
      %parallel_loop3A_157 = vector.broadcast %parallel_loop3A_156 : i32 to vector<16xi32>
      %parallel_loop3A_158 = arith.addi %parallel_loop3A_155, %parallel_loop3A_157 : vector<16xi32>
      %parallel_loop3A_159 = tpu.vector_load_idx %arg14[%parallel_loop3A_158] : memref<8000xf32, #tpu.memory_space<vmem>>[vector<16xi32>], vector<16xf32>,
      %parallel_loop3A_160 = arith.constant 128 : i32
      %parallel_loop3A_161 = arith.muli %parallel_loop3A_160, %parallel_loop3A_134 : i32
      %parallel_loop3A_162 = arith.constant 16 : i32
      %parallel_loop3A_163 = arith.muli %parallel_loop3A_162, %parallel_loop3A_150 : i32
      %parallel_loop3A_164 = arith.addi %parallel_loop3A_161, %parallel_loop3A_163 : i32
      %parallel_loop3A_165 = arith.constant 0 : i32
      %parallel_loop3A_166 = arith.constant 0 : i32
      %parallel_loop3A_167 = arith.constant 0 : i32
      %parallel_loop3A_168 = tpu.memref_slice %arg16[%parallel_loop3A_70, %parallel_loop3A_166, %parallel_loop3A_167] : memref<2x8x1664xf32, #tpu.memory_space<vmem>> -> memref<1x8x1664xf32, #tpu.memory_space<vmem>>
      %parallel_loop3A_169 = tpu.memref_squeeze %parallel_loop3A_168 : memref<1x8x1664xf32, #tpu.memory_space<vmem>> -> memref<8x1664xf32, #tpu.memory_space<vmem>>
      %parallel_loop3A_170 = arith.index_cast %parallel_loop3A_165 : i32 to index
      %parallel_loop3A_171 = arith.index_cast %parallel_loop3A_164 : i32 to index
      %parallel_loop3A_172 = tpu.vector_load %parallel_loop3A_169[%parallel_loop3A_170, %parallel_loop3A_171] {strides = array<i32>} : memref<8x1664xf32, #tpu.memory_space<vmem>>, vector<16xf32>,
      tpu.vector_store %parallel_loop3A_169[%parallel_loop3A_170, %parallel_loop3A_171], %parallel_loop3A_159 {strides = array<i32>} : memref<8x1664xf32, #tpu.memory_space<vmem>>, vector<16xf32>,
      %parallel_loop3A_173 = arith.constant 1000 : i32
      %parallel_loop3A_174 = vector.broadcast %parallel_loop3A_173 : i32 to vector<16xi32>
      %parallel_loop3A_175 = arith.addi %parallel_loop3A_155, %parallel_loop3A_174 : vector<16xi32>
      %parallel_loop3A_176 = tpu.vector_load_idx %arg14[%parallel_loop3A_175] : memref<8000xf32, #tpu.memory_space<vmem>>[vector<16xi32>], vector<16xf32>,
      %parallel_loop3A_177 = arith.constant 128 : i32
      %parallel_loop3A_178 = arith.muli %parallel_loop3A_177, %parallel_loop3A_134 : i32
      %parallel_loop3A_179 = arith.constant 16 : i32
      %parallel_loop3A_180 = arith.muli %parallel_loop3A_179, %parallel_loop3A_150 : i32
      %parallel_loop3A_181 = arith.addi %parallel_loop3A_178, %parallel_loop3A_180 : i32
      %parallel_loop3A_182 = arith.constant 1 : i32
      %parallel_loop3A_183 = arith.constant 0 : i32
      %parallel_loop3A_184 = arith.constant 0 : i32
      %parallel_loop3A_185 = tpu.memref_slice %arg16[%parallel_loop3A_70, %parallel_loop3A_183, %parallel_loop3A_184] : memref<2x8x1664xf32, #tpu.memory_space<vmem>> -> memref<1x8x1664xf32, #tpu.memory_space<vmem>>
      %parallel_loop3A_186 = tpu.memref_squeeze %parallel_loop3A_185 : memref<1x8x1664xf32, #tpu.memory_space<vmem>> -> memref<8x1664xf32, #tpu.memory_space<vmem>>
      %parallel_loop3A_187 = arith.index_cast %parallel_loop3A_182 : i32 to index
      %parallel_loop3A_188 = arith.index_cast %parallel_loop3A_181 : i32 to index
      %parallel_loop3A_189 = tpu.vector_load %parallel_loop3A_186[%parallel_loop3A_187, %parallel_loop3A_188] {strides = array<i32>} : memref<8x1664xf32, #tpu.memory_space<vmem>>, vector<16xf32>,
      tpu.vector_store %parallel_loop3A_186[%parallel_loop3A_187, %parallel_loop3A_188], %parallel_loop3A_176 {strides = array<i32>} : memref<8x1664xf32, #tpu.memory_space<vmem>>, vector<16xf32>,
      %parallel_loop3A_190 = arith.constant 2000 : i32
      %parallel_loop3A_191 = vector.broadcast %parallel_loop3A_190 : i32 to vector<16xi32>
      %parallel_loop3A_192 = arith.addi %parallel_loop3A_155, %parallel_loop3A_191 : vector<16xi32>
      %parallel_loop3A_193 = tpu.vector_load_idx %arg14[%parallel_loop3A_192] : memref<8000xf32, #tpu.memory_space<vmem>>[vector<16xi32>], vector<16xf32>,
      %parallel_loop3A_194 = arith.constant 128 : i32
      %parallel_loop3A_195 = arith.muli %parallel_loop3A_194, %parallel_loop3A_134 : i32
      %parallel_loop3A_196 = arith.constant 16 : i32
      %parallel_loop3A_197 = arith.muli %parallel_loop3A_196, %parallel_loop3A_150 : i32
      %parallel_loop3A_198 = arith.addi %parallel_loop3A_195, %parallel_loop3A_197 : i32
      %parallel_loop3A_199 = arith.constant 2 : i32
      %parallel_loop3A_200 = arith.constant 0 : i32
      %parallel_loop3A_201 = arith.constant 0 : i32
      %parallel_loop3A_202 = tpu.memref_slice %arg16[%parallel_loop3A_70, %parallel_loop3A_200, %parallel_loop3A_201] : memref<2x8x1664xf32, #tpu.memory_space<vmem>> -> memref<1x8x1664xf32, #tpu.memory_space<vmem>>
      %parallel_loop3A_203 = tpu.memref_squeeze %parallel_loop3A_202 : memref<1x8x1664xf32, #tpu.memory_space<vmem>> -> memref<8x1664xf32, #tpu.memory_space<vmem>>
      %parallel_loop3A_204 = arith.index_cast %parallel_loop3A_199 : i32 to index
      %parallel_loop3A_205 = arith.index_cast %parallel_loop3A_198 : i32 to index
      %parallel_loop3A_206 = tpu.vector_load %parallel_loop3A_203[%parallel_loop3A_204, %parallel_loop3A_205] {strides = array<i32>} : memref<8x1664xf32, #tpu.memory_space<vmem>>, vector<16xf32>,
      tpu.vector_store %parallel_loop3A_203[%parallel_loop3A_204, %parallel_loop3A_205], %parallel_loop3A_193 {strides = array<i32>} : memref<8x1664xf32, #tpu.memory_space<vmem>>, vector<16xf32>,
      %parallel_loop3A_207 = arith.constant 3000 : i32
      %parallel_loop3A_208 = vector.broadcast %parallel_loop3A_207 : i32 to vector<16xi32>
      %parallel_loop3A_209 = arith.addi %parallel_loop3A_155, %parallel_loop3A_208 : vector<16xi32>
      %parallel_loop3A_210 = tpu.vector_load_idx %arg14[%parallel_loop3A_209] : memref<8000xf32, #tpu.memory_space<vmem>>[vector<16xi32>], vector<16xf32>,
      %parallel_loop3A_211 = arith.constant 128 : i32
      %parallel_loop3A_212 = arith.muli %parallel_loop3A_211, %parallel_loop3A_134 : i32
      %parallel_loop3A_213 = arith.constant 16 : i32
      %parallel_loop3A_214 = arith.muli %parallel_loop3A_213, %parallel_loop3A_150 : i32
      %parallel_loop3A_215 = arith.addi %parallel_loop3A_212, %parallel_loop3A_214 : i32
      %parallel_loop3A_216 = arith.constant 3 : i32
      %parallel_loop3A_217 = arith.constant 0 : i32
      %parallel_loop3A_218 = arith.constant 0 : i32
      %parallel_loop3A_219 = tpu.memref_slice %arg16[%parallel_loop3A_70, %parallel_loop3A_217, %parallel_loop3A_218] : memref<2x8x1664xf32, #tpu.memory_space<vmem>> -> memref<1x8x1664xf32, #tpu.memory_space<vmem>>
      %parallel_loop3A_220 = tpu.memref_squeeze %parallel_loop3A_219 : memref<1x8x1664xf32, #tpu.memory_space<vmem>> -> memref<8x1664xf32, #tpu.memory_space<vmem>>
      %parallel_loop3A_221 = arith.index_cast %parallel_loop3A_216 : i32 to index
      %parallel_loop3A_222 = arith.index_cast %parallel_loop3A_215 : i32 to index
      %parallel_loop3A_223 = tpu.vector_load %parallel_loop3A_220[%parallel_loop3A_221, %parallel_loop3A_222] {strides = array<i32>} : memref<8x1664xf32, #tpu.memory_space<vmem>>, vector<16xf32>,
      tpu.vector_store %parallel_loop3A_220[%parallel_loop3A_221, %parallel_loop3A_222], %parallel_loop3A_210 {strides = array<i32>} : memref<8x1664xf32, #tpu.memory_space<vmem>>, vector<16xf32>,
      %parallel_loop3A_224 = arith.constant 4000 : i32
      %parallel_loop3A_225 = vector.broadcast %parallel_loop3A_224 : i32 to vector<16xi32>
      %parallel_loop3A_226 = arith.addi %parallel_loop3A_155, %parallel_loop3A_225 : vector<16xi32>
      %parallel_loop3A_227 = tpu.vector_load_idx %arg14[%parallel_loop3A_226] : memref<8000xf32, #tpu.memory_space<vmem>>[vector<16xi32>], vector<16xf32>,
      %parallel_loop3A_228 = arith.constant 128 : i32
      %parallel_loop3A_229 = arith.muli %parallel_loop3A_228, %parallel_loop3A_134 : i32
      %parallel_loop3A_230 = arith.constant 16 : i32
      %parallel_loop3A_231 = arith.muli %parallel_loop3A_230, %parallel_loop3A_150 : i32
      %parallel_loop3A_232 = arith.addi %parallel_loop3A_229, %parallel_loop3A_231 : i32
      %parallel_loop3A_233 = arith.constant 4 : i32
      %parallel_loop3A_234 = arith.constant 0 : i32
      %parallel_loop3A_235 = arith.constant 0 : i32
      %parallel_loop3A_236 = tpu.memref_slice %arg16[%parallel_loop3A_70, %parallel_loop3A_234, %parallel_loop3A_235] : memref<2x8x1664xf32, #tpu.memory_space<vmem>> -> memref<1x8x1664xf32, #tpu.memory_space<vmem>>
      %parallel_loop3A_237 = tpu.memref_squeeze %parallel_loop3A_236 : memref<1x8x1664xf32, #tpu.memory_space<vmem>> -> memref<8x1664xf32, #tpu.memory_space<vmem>>
      %parallel_loop3A_238 = arith.index_cast %parallel_loop3A_233 : i32 to index
      %parallel_loop3A_239 = arith.index_cast %parallel_loop3A_232 : i32 to index
      %parallel_loop3A_240 = tpu.vector_load %parallel_loop3A_237[%parallel_loop3A_238, %parallel_loop3A_239] {strides = array<i32>} : memref<8x1664xf32, #tpu.memory_space<vmem>>, vector<16xf32>,
      tpu.vector_store %parallel_loop3A_237[%parallel_loop3A_238, %parallel_loop3A_239], %parallel_loop3A_227 {strides = array<i32>} : memref<8x1664xf32, #tpu.memory_space<vmem>>, vector<16xf32>,
      %parallel_loop3A_241 = arith.constant 5000 : i32
      %parallel_loop3A_242 = vector.broadcast %parallel_loop3A_241 : i32 to vector<16xi32>
      %parallel_loop3A_243 = arith.addi %parallel_loop3A_155, %parallel_loop3A_242 : vector<16xi32>
      %parallel_loop3A_244 = tpu.vector_load_idx %arg14[%parallel_loop3A_243] : memref<8000xf32, #tpu.memory_space<vmem>>[vector<16xi32>], vector<16xf32>,
      %parallel_loop3A_245 = arith.constant 128 : i32
      %parallel_loop3A_246 = arith.muli %parallel_loop3A_245, %parallel_loop3A_134 : i32
      %parallel_loop3A_247 = arith.constant 16 : i32
      %parallel_loop3A_248 = arith.muli %parallel_loop3A_247, %parallel_loop3A_150 : i32
      %parallel_loop3A_249 = arith.addi %parallel_loop3A_246, %parallel_loop3A_248 : i32
      %parallel_loop3A_250 = arith.constant 5 : i32
      %parallel_loop3A_251 = arith.constant 0 : i32
      %parallel_loop3A_252 = arith.constant 0 : i32
      %parallel_loop3A_253 = tpu.memref_slice %arg16[%parallel_loop3A_70, %parallel_loop3A_251, %parallel_loop3A_252] : memref<2x8x1664xf32, #tpu.memory_space<vmem>> -> memref<1x8x1664xf32, #tpu.memory_space<vmem>>
      %parallel_loop3A_254 = tpu.memref_squeeze %parallel_loop3A_253 : memref<1x8x1664xf32, #tpu.memory_space<vmem>> -> memref<8x1664xf32, #tpu.memory_space<vmem>>
      %parallel_loop3A_255 = arith.index_cast %parallel_loop3A_250 : i32 to index
      %parallel_loop3A_256 = arith.index_cast %parallel_loop3A_249 : i32 to index
      %parallel_loop3A_257 = tpu.vector_load %parallel_loop3A_254[%parallel_loop3A_255, %parallel_loop3A_256] {strides = array<i32>} : memref<8x1664xf32, #tpu.memory_space<vmem>>, vector<16xf32>,
      tpu.vector_store %parallel_loop3A_254[%parallel_loop3A_255, %parallel_loop3A_256], %parallel_loop3A_244 {strides = array<i32>} : memref<8x1664xf32, #tpu.memory_space<vmem>>, vector<16xf32>,
      %parallel_loop3A_258 = arith.constant 6000 : i32
      %parallel_loop3A_259 = vector.broadcast %parallel_loop3A_258 : i32 to vector<16xi32>
      %parallel_loop3A_260 = arith.addi %parallel_loop3A_155, %parallel_loop3A_259 : vector<16xi32>
      %parallel_loop3A_261 = tpu.vector_load_idx %arg14[%parallel_loop3A_260] : memref<8000xf32, #tpu.memory_space<vmem>>[vector<16xi32>], vector<16xf32>,
      %parallel_loop3A_262 = arith.constant 128 : i32
      %parallel_loop3A_263 = arith.muli %parallel_loop3A_262, %parallel_loop3A_134 : i32
      %parallel_loop3A_264 = arith.constant 16 : i32
      %parallel_loop3A_265 = arith.muli %parallel_loop3A_264, %parallel_loop3A_150 : i32
      %parallel_loop3A_266 = arith.addi %parallel_loop3A_263, %parallel_loop3A_265 : i32
      %parallel_loop3A_267 = arith.constant 6 : i32
      %parallel_loop3A_268 = arith.constant 0 : i32
      %parallel_loop3A_269 = arith.constant 0 : i32
      %parallel_loop3A_270 = tpu.memref_slice %arg16[%parallel_loop3A_70, %parallel_loop3A_268, %parallel_loop3A_269] : memref<2x8x1664xf32, #tpu.memory_space<vmem>> -> memref<1x8x1664xf32, #tpu.memory_space<vmem>>
      %parallel_loop3A_271 = tpu.memref_squeeze %parallel_loop3A_270 : memref<1x8x1664xf32, #tpu.memory_space<vmem>> -> memref<8x1664xf32, #tpu.memory_space<vmem>>
      %parallel_loop3A_272 = arith.index_cast %parallel_loop3A_267 : i32 to index
      %parallel_loop3A_273 = arith.index_cast %parallel_loop3A_266 : i32 to index
      %parallel_loop3A_274 = tpu.vector_load %parallel_loop3A_271[%parallel_loop3A_272, %parallel_loop3A_273] {strides = array<i32>} : memref<8x1664xf32, #tpu.memory_space<vmem>>, vector<16xf32>,
      tpu.vector_store %parallel_loop3A_271[%parallel_loop3A_272, %parallel_loop3A_273], %parallel_loop3A_261 {strides = array<i32>} : memref<8x1664xf32, #tpu.memory_space<vmem>>, vector<16xf32>,
      %parallel_loop3A_275 = arith.constant 7000 : i32
      %parallel_loop3A_276 = vector.broadcast %parallel_loop3A_275 : i32 to vector<16xi32>
      %parallel_loop3A_277 = arith.addi %parallel_loop3A_155, %parallel_loop3A_276 : vector<16xi32>
      %parallel_loop3A_278 = tpu.vector_load_idx %arg14[%parallel_loop3A_277] : memref<8000xf32, #tpu.memory_space<vmem>>[vector<16xi32>], vector<16xf32>,
      %parallel_loop3A_279 = arith.constant 128 : i32
      %parallel_loop3A_280 = arith.muli %parallel_loop3A_279, %parallel_loop3A_134 : i32
      %parallel_loop3A_281 = arith.constant 16 : i32
      %parallel_loop3A_282 = arith.muli %parallel_loop3A_281, %parallel_loop3A_150 : i32
      %parallel_loop3A_283 = arith.addi %parallel_loop3A_280, %parallel_loop3A_282 : i32
      %parallel_loop3A_284 = arith.constant 7 : i32
      %parallel_loop3A_285 = arith.constant 0 : i32
      %parallel_loop3A_286 = arith.constant 0 : i32
      %parallel_loop3A_287 = tpu.memref_slice %arg16[%parallel_loop3A_70, %parallel_loop3A_285, %parallel_loop3A_286] : memref<2x8x1664xf32, #tpu.memory_space<vmem>> -> memref<1x8x1664xf32, #tpu.memory_space<vmem>>
      %parallel_loop3A_288 = tpu.memref_squeeze %parallel_loop3A_287 : memref<1x8x1664xf32, #tpu.memory_space<vmem>> -> memref<8x1664xf32, #tpu.memory_space<vmem>>
      %parallel_loop3A_289 = arith.index_cast %parallel_loop3A_284 : i32 to index
      %parallel_loop3A_290 = arith.index_cast %parallel_loop3A_283 : i32 to index
      %parallel_loop3A_291 = tpu.vector_load %parallel_loop3A_288[%parallel_loop3A_289, %parallel_loop3A_290] {strides = array<i32>} : memref<8x1664xf32, #tpu.memory_space<vmem>>, vector<16xf32>,
      tpu.vector_store %parallel_loop3A_288[%parallel_loop3A_289, %parallel_loop3A_290], %parallel_loop3A_278 {strides = array<i32>} : memref<8x1664xf32, #tpu.memory_space<vmem>>, vector<16xf32>,
    } {sc.loop_unroll_factor = 8 : i64, sc.parallel_access}
    %dma_start3A_71 = arith.constant 0 : i32
    %dma_start3A_72 = arith.constant 0 : i32
    %dma_start3A_73 = arith.constant 0 : i32
    %dma_start3A_74 = tpu.memref_slice %arg16[%dma_start3A_71, %dma_start3A_72, %dma_start3A_73] : memref<2x8x1664xf32, #tpu.memory_space<vmem>> -> memref<1x8x1664xf32, #tpu.memory_space<vmem>>
    %dma_start3A_75 = tpu.memref_squeeze %dma_start3A_74 : memref<1x8x1664xf32, #tpu.memory_space<vmem>> -> memref<8x1664xf32, #tpu.memory_space<vmem>>
    %dma_start3A_76 = arith.constant 992 : i32
    %dma_start3A_77 = tpu.memref_slice %arg8[%dma_start3A_76, %mul3A_20] : memref<1000x51200xf32, #tpu.memory_space<hbm>> -> memref<8x1664xf32, #tpu.memory_space<hbm>>
    %dma_start3A_78 = arith.constant 992 : i32
    %dma_start3A_79 = tpu.memref_slice %arg8[%dma_start3A_78, %mul3A_20] : memref<1000x51200xf32, #tpu.memory_space<hbm>> -> memref<8x1664xf32, #tpu.memory_space<hbm>>
    %dma_start3A_80 = arith.constant 0 : i32
    %dma_start3A_81 = arith.constant 0 : i32
    %dma_start3A_82 = tpu.memref_slice %arg16[%dma_start3A_71, %dma_start3A_80, %dma_start3A_81] : memref<2x8x1664xf32, #tpu.memory_space<vmem>> -> memref<1x8x1664xf32, #tpu.memory_space<vmem>>
    %dma_start3A_83 = tpu.memref_squeeze %dma_start3A_82 : memref<1x8x1664xf32, #tpu.memory_space<vmem>> -> memref<8x1664xf32, #tpu.memory_space<vmem>>
    tpu.enqueue_dma source(%dma_start3A_83 : memref<8x1664xf32, #tpu.memory_space<vmem>>) target(%dma_start3A_79 : memref<8x1664xf32, #tpu.memory_space<hbm>>) target_semaphore(%arg21 : memref<!tpu.dma_semaphore, #tpu.memory_space<semaphore_mem>>)
    %dma_wait3A_84 = arith.constant 1 : i32
    %dma_wait3A_85 = arith.constant 0 : i32
    %dma_wait3A_86 = arith.constant 0 : i32
    %dma_wait3A_87 = tpu.memref_slice %arg16[%dma_wait3A_84, %dma_wait3A_85, %dma_wait3A_86] : memref<2x8x1664xf32, #tpu.memory_space<vmem>> -> memref<1x8x1664xf32, #tpu.memory_space<vmem>>
    %dma_wait3A_88 = tpu.memref_squeeze %dma_wait3A_87 : memref<1x8x1664xf32, #tpu.memory_space<vmem>> -> memref<8x1664xf32, #tpu.memory_space<vmem>>
    %dma_wait3A_89 = arith.constant 0 : i32
    %dma_wait3A_90 = tpu.memref_slice %arg8[%dma_wait3A_89, %mul3A_20] : memref<1000x51200xf32, #tpu.memory_space<hbm>> -> memref<8x1664xf32, #tpu.memory_space<hbm>>
    %dma_wait3A_91 = arith.constant 0 : i32
    %dma_wait3A_92 = tpu.memref_slice %arg8[%dma_wait3A_91, %mul3A_20] : memref<1000x51200xf32, #tpu.memory_space<hbm>> -> memref<8x1664xf32, #tpu.memory_space<hbm>>
    %dma_wait3A_93 = arith.constant 0 : i32
    %dma_wait3A_94 = arith.constant 0 : i32
    %dma_wait3A_95 = tpu.memref_slice %arg16[%dma_wait3A_84, %dma_wait3A_93, %dma_wait3A_94] : memref<2x8x1664xf32, #tpu.memory_space<vmem>> -> memref<1x8x1664xf32, #tpu.memory_space<vmem>>
    %dma_wait3A_96 = tpu.memref_squeeze %dma_wait3A_95 : memref<1x8x1664xf32, #tpu.memory_space<vmem>> -> memref<8x1664xf32, #tpu.memory_space<vmem>>
    tpu.wait_dma2 semaphore(%arg22 : memref<!tpu.dma_semaphore, #tpu.memory_space<semaphore_mem>>) src(%dma_wait3A_96 : memref<8x1664xf32, #tpu.memory_space<vmem>>) dst(%dma_wait3A_92 : memref<8x1664xf32, #tpu.memory_space<hbm>>)
    %dma_wait3A_97 = arith.constant 0 : i32
    %dma_wait3A_98 = arith.constant 0 : i32
    %dma_wait3A_99 = arith.constant 0 : i32
    %dma_wait3A_100 = tpu.memref_slice %arg16[%dma_wait3A_97, %dma_wait3A_98, %dma_wait3A_99] : memref<2x8x1664xf32, #tpu.memory_space<vmem>> -> memref<1x8x1664xf32, #tpu.memory_space<vmem>>
    %dma_wait3A_101 = tpu.memref_squeeze %dma_wait3A_100 : memref<1x8x1664xf32, #tpu.memory_space<vmem>> -> memref<8x1664xf32, #tpu.memory_space<vmem>>
    %dma_wait3A_102 = arith.constant 0 : i32
    %dma_wait3A_103 = tpu.memref_slice %arg8[%dma_wait3A_102, %mul3A_20] : memref<1000x51200xf32, #tpu.memory_space<hbm>> -> memref<8x1664xf32, #tpu.memory_space<hbm>>
    %dma_wait3A_104 = arith.constant 0 : i32
    %dma_wait3A_105 = tpu.memref_slice %arg8[%dma_wait3A_104, %mul3A_20] : memref<1000x51200xf32, #tpu.memory_space<hbm>> -> memref<8x1664xf32, #tpu.memory_space<hbm>>
    %dma_wait3A_106 = arith.constant 0 : i32
    %dma_wait3A_107 = arith.constant 0 : i32
    %dma_wait3A_108 = tpu.memref_slice %arg16[%dma_wait3A_97, %dma_wait3A_106, %dma_wait3A_107] : memref<2x8x1664xf32, #tpu.memory_space<vmem>> -> memref<1x8x1664xf32, #tpu.memory_space<vmem>>
    %dma_wait3A_109 = tpu.memref_squeeze %dma_wait3A_108 : memref<1x8x1664xf32, #tpu.memory_space<vmem>> -> memref<8x1664xf32, #tpu.memory_space<vmem>>
    tpu.wait_dma2 semaphore(%arg21 : memref<!tpu.dma_semaphore, #tpu.memory_space<semaphore_mem>>) src(%dma_wait3A_109 : memref<8x1664xf32, #tpu.memory_space<vmem>>) dst(%dma_wait3A_105 : memref<8x1664xf32, #tpu.memory_space<hbm>>)
    "tpu.region"() ({
      %run_scoped3A = tpu.sem_alloc : memref<!tpu.dma_semaphore, #tpu.memory_space<semaphore_mem>>
      %dma_start3A_110 = arith.constant 0 : i32
      %dma_start3A_111 = tpu.memref_slice %arg9[%add3A, %dma_start3A_110] : memref<32x16xf32, #tpu.memory_space<hbm>> -> memref<1x16xf32, #tpu.memory_space<hbm>>
      %dma_start3A_112 = tpu.memref_squeeze %dma_start3A_111 : memref<1x16xf32, #tpu.memory_space<hbm>> -> memref<16xf32, #tpu.memory_space<hbm>>
      %dma_start3A_113 = arith.constant 0 : i32
      %dma_start3A_114 = tpu.memref_slice %arg9[%add3A, %dma_start3A_113] : memref<32x16xf32, #tpu.memory_space<hbm>> -> memref<1x16xf32, #tpu.memory_space<hbm>>
      %dma_start3A_115 = tpu.memref_squeeze %dma_start3A_114 : memref<1x16xf32, #tpu.memory_space<hbm>> -> memref<16xf32, #tpu.memory_space<hbm>>
      tpu.enqueue_dma source(%arg18 : memref<16xf32, #tpu.memory_space<vmem>>) target(%dma_start3A_115 : memref<16xf32, #tpu.memory_space<hbm>>) target_semaphore(%run_scoped3A : memref<!tpu.dma_semaphore, #tpu.memory_space<semaphore_mem>>)
      %dma_wait3A_116 = arith.constant 0 : i32
      %dma_wait3A_117 = tpu.memref_slice %arg9[%add3A, %dma_wait3A_116] : memref<32x16xf32, #tpu.memory_space<hbm>> -> memref<1x16xf32, #tpu.memory_space<hbm>>
      %dma_wait3A_118 = tpu.memref_squeeze %dma_wait3A_117 : memref<1x16xf32, #tpu.memory_space<hbm>> -> memref<16xf32, #tpu.memory_space<hbm>>
      %dma_wait3A_119 = arith.constant 0 : i32
      %dma_wait3A_120 = tpu.memref_slice %arg9[%add3A, %dma_wait3A_119] : memref<32x16xf32, #tpu.memory_space<hbm>> -> memref<1x16xf32, #tpu.memory_space<hbm>>
      %dma_wait3A_121 = tpu.memref_squeeze %dma_wait3A_120 : memref<1x16xf32, #tpu.memory_space<hbm>> -> memref<16xf32, #tpu.memory_space<hbm>>
      tpu.wait_dma2 semaphore(%run_scoped3A : memref<!tpu.dma_semaphore, #tpu.memory_space<semaphore_mem>>) src(%arg18 : memref<16xf32, #tpu.memory_space<vmem>>) dst(%dma_wait3A_121 : memref<16xf32, #tpu.memory_space<hbm>>)
      tpu.yield
    }) : () -> ()
    return
  }
}

module attributes {stable_mosaic.version = 14 : i64} {
  func.func @_lse_body(%arg0: memref<1000x1000xf32, #tpu.memory_space<vmem>>, %arg1: memref<1000x1xf32, #tpu.memory_space<vmem>>) attributes {dimension_semantics = [], scalar_prefetch = 0 : i64, scratch_operands = 0 : i64, tpu.core_type = #tpu.core_type<tc>} {
    %get3A = arith.constant 0 : index
    %get3A_0 = arith.constant 0 : index
    %get3A_1 = vector.load %arg0[%get3A, %get3A_0] : memref<1000x1000xf32, #tpu.memory_space<vmem>>, vector<1000x1000xf32>
    %reduce_max3A = arith.constant dense<0xFF800000> : vector<1000xf32>
    %reduce_max3A_2 = vector.multi_reduction <maximumf>, %get3A_1, %reduce_max3A [1] : vector<1000x1000xf32> to vector<1000xf32>
    %broadcast_in_dim3A = vector.shape_cast %reduce_max3A_2 : vector<1000xf32> to vector<1000x1xf32>
    %sub3A = vector.broadcast %broadcast_in_dim3A : vector<1000x1xf32> to vector<1000x1000xf32>
    %sub3A_3 = arith.subf %get3A_1, %sub3A : vector<1000x1000xf32>
    %exp3A = math.exp %sub3A_3 : vector<1000x1000xf32>
    %reduce_sum3A = arith.constant dense<0.000000e+00> : vector<1000xf32>
    %reduce_sum3A_4 = vector.multi_reduction <add>, %exp3A, %reduce_sum3A [1] : vector<1000x1000xf32> to vector<1000xf32>
    %broadcast_in_dim3A_5 = vector.shape_cast %reduce_sum3A_4 : vector<1000xf32> to vector<1000x1xf32>
    %log3A = math.log %broadcast_in_dim3A_5 : vector<1000x1xf32>
    %add3A = arith.addf %broadcast_in_dim3A, %log3A : vector<1000x1xf32>
    %swap3A = arith.constant 0 : index
    %swap3A_6 = arith.constant 0 : index
    %swap3A_7 = vector.load %arg1[%swap3A, %swap3A_6] : memref<1000x1xf32, #tpu.memory_space<vmem>>, vector<1000x1xf32>
    tpu.vector_store %arg1[%swap3A, %swap3A_6], %add3A {strides = array<i32>} : memref<1000x1xf32, #tpu.memory_space<vmem>>, vector<1000x1xf32>,
    return
  }
}

module attributes {stable_mosaic.version = 14 : i64} {
  func.func @_fin_body(%arg0: memref<32x16xf32, #tpu.memory_space<vmem>>, %arg1: memref<1x1xf32, #tpu.memory_space<vmem>>) attributes {dimension_semantics = [], scalar_prefetch = 0 : i64, scratch_operands = 0 : i64, tpu.core_type = #tpu.core_type<tc>} {
    %get3A = arith.constant 0 : index
    %get3A_0 = arith.constant 0 : index
    %get3A_1 = vector.load %arg0[%get3A, %get3A_0] : memref<32x16xf32, #tpu.memory_space<vmem>>, vector<32x16xf32>
    %reduce_sum3A = vector.shape_cast %get3A_1 : vector<32x16xf32> to vector<1x32x16xf32>
    %reduce_sum3A_2 = arith.constant dense<0.000000e+00> : vector<1xf32>
    %reduce_sum3A_3 = vector.multi_reduction <add>, %reduce_sum3A, %reduce_sum3A_2 [1, 2] : vector<1x32x16xf32> to vector<1xf32>
    %reduce_sum3A_4 = vector.shape_cast %reduce_sum3A_3 : vector<1xf32> to vector<1x1x1xf32>
    %reduce_sum3A_5 = vector.extract %reduce_sum3A_4[0, 0, 0] : f32 from vector<1x1x1xf32>
    %broadcast_in_dim3A = vector.broadcast %reduce_sum3A_5 : f32 to vector<1x1xf32>
    %mul3A = arith.constant 1.95312496E-5 : f32
    %mul3A_6 = vector.broadcast %mul3A : f32 to vector<1x1xf32>
    %mul3A_7 = arith.mulf %broadcast_in_dim3A, %mul3A_6 : vector<1x1xf32>
    %swap3A = arith.constant 0 : index
    %swap3A_8 = arith.constant 0 : index
    %swap3A_9 = vector.load %arg1[%swap3A, %swap3A_8] : memref<1x1xf32, #tpu.memory_space<vmem>>, vector<1x1xf32>
    tpu.vector_store %arg1[%swap3A, %swap3A_8], %mul3A_7 {strides = array<i32>} : memref<1x1xf32, #tpu.memory_space<vmem>>, vector<1x1xf32>,
    return
  }
}

</mosaic_0001>

<sc_bundles>
// kernel: kernel.5.cloned.1.call-start
scs
__scs_entry_jumppad:
0x0: {  	(pc) =	sbr.rel $0x88, $3  }
0x1: {  	(tag) =	ssettag $0x0;
	lr =	simm.s32 $0x1  }
0x2: {  	[smem:$0x3F9E] =	sst lr;
	_ =	strace $0xD0000000  }
0x3: {  	_ = 	snop  }
0x4: {  	_ = 	snop  }
0x5: {  	_ = 	snop  }
0x6: {  	_ = 	snop  }
0x7: {  	_ = 	snop  }
__scs_overlays_trampoline_lowered:
0x8: {  	[smem:$0x3FAD] =	sst s0  }
0x9: {  	[smem:$0x3FAE] =	sst s1  }
0xa: {  	[smem:$0x3FAF] =	sst s2  }
0xb: {  	[smem:$0x3FB0] =	sst s3  }
0xc: {  	[smem:$0x3FB1] =	sst s4  }
0xd: {  	[smem:$0x3FB2] =	sst s5  }
0xe: {  	[smem:$0x3FB3] =	sst s6  }
0xf: {  	[smem:$0x3FB4] =	sst s7  }
0x10: {  	[smem:$0x3FB5] =	sst s8  }
0x11: {  	[smem:$0x3FB6] =	sst s9;
	s0 =	simm.s32 @!p0 $0x0  }
0x12: {  	s1 =	sld [smem:$0x3F9C];
	s0 =	simm.s32 @p0 $0x1  }
0x13: {  	[smem:$0x3FB7] =	sst s0;
	s0 =	simm.s32 @!p1 $0x0  }
0x14: {  	s2 =	sld [smem:$0x3F9B];
	s0 =	simm.s32 @p1 $0x1  }
0x15: {  	[smem:$0x3FB8] =	sst s0;
	s0 =	simm.s32 @!p2 $0x0  }
0x16: {  	s3 =	sld [smem:$0x3FDB];
	s0 =	simm.s32 @p2 $0x1  }
0x17: {  	s4 =	simm.s32 $0x1BF5;
	[smem:$0x3FBA] =	sst s0  }
0x18: {  	s0 =	sld [smem:$0x3F9D];
	_ =	swait.ge [sflag:s4], $0x0  }
0x19: {  	s7 =	sld [smem:$0x3F9E]  }
0x1a: {  	s8 =	sadd.s32 $0xFFFFE003, lr  }
0x1b: {  	s9 =	sadd.s32 $0xFFFFFEF7, lr;
	s5 =	simm.s32 $0xFFFFFFFF;
	p2 =	slt.u32 s8, $0xFFFFF086  }
0x1c: {  	p1 =	slt.u32 s9, $0xF7A;
	s5 =	simm.s32 @!p2 $0x0  }
0x1d: {  	s5 =	simm.s32 @p1 $0x1;
	p0 =	seq.s32 s7, s2  }
0x1e: {  	s7 =	smul.u32 @!p0 $0xF7A, s2;
	p2 =	seq.s32 @!p0 s5, $0x0  }
0x1f: {  	s9 =	smul.u32 $0xF7A, s1;
	s8 =	simm.s32 @!p0 $0x1BF5;
	p2 =	por !p2, p0  }
0x20: {  	[sflag:s8] =	ssyncset.s32 @!p0 $0xFFFFF086;
	s6 =	sadd.s32 @!p0 s3, s7;
	s7 =	simm.s32 @!p0 $0x108  }
0x21: {  	s3 =	sadd.s32 s3, s9;
	s6 =	sadd.s32 @!p0 $0x88, s6;
	s7 =	simm.s32 @p2 $0x1082  }
0x22: {  	[simem:s7], [sflag:s8] =	dma.local @!p0 [hbm:s6], $0xF7A  }
0x23: {  	s9 =	sor.u32 $0xD0000000, s2;
	s6 =	simm.s32 $0x108;
	_ =	swait.ge @!p0 [sflag:s8], $0x0  }
0x24: {  	s3 =	sadd.s32 $0x88, s3;
	s6 =	simm.s32 @!p1 $0x1082;
	[sflag:s4] =	ssyncset.s32 $0xFFFFF086  }
0x25: {  	[simem:s6], [sflag:s4] =	dma.local [hbm:s3], $0xF7A  }
0x26: {  	[smem:$0x3F9E] =	sst s1;
	(tag) =	ssettag s2;
	_ =	strace s9  }
0x27: {  	s1 =	sld [smem:$0x3FAE]  }
0x28: {  	s2 =	sld [smem:$0x3FAF]  }
0x29: {  	s4 =	sld [smem:$0x3FB1]  }
0x2a: {  	p0 =	seq.s32 s5, $0x0;
	s5 =	sld [smem:$0x3FB2]  }
0x2b: {  	s6 =	sld [smem:$0x3FB3]  }
0x2c: {  	s7 =	sld [smem:$0x3FB4]  }
0x2d: {  	s3 =	simm.s32 $0x108;
	s8 =	sld [smem:$0x3FB5]  }
0x2e: {  	s3 =	simm.s32 @!p0 $0x1082;
	s9 =	sld [smem:$0x3FB6]  }
0x2f: {  	lr =	sadd.s32 s0, s3;
	s0 =	sld [smem:$0x3FAD]  }
0x30: {  	s3 =	sld [smem:$0x3FB0]  }
0x31: {  	[smem:$0x3FB9] =	sst s10  }
0x32: {  	s10 =	sld [smem:$0x3FB7];
	_ =	sdelay $0x3  }
0x33: {  	p0 =	seq.s32 s10, $0x1;
	s10 =	sld [smem:$0x3FB9];
	_ =	sdelay $0x3  }
0x34: {  	[smem:$0x3FB9] =	sst s10  }
0x35: {  	s10 =	sld [smem:$0x3FB8];
	_ =	sdelay $0x3  }
0x36: {  	p1 =	seq.s32 s10, $0x1;
	s10 =	sld [smem:$0x3FB9];
	_ =	sdelay $0x3  }
0x37: {  	[smem:$0x3FB9] =	sst s10  }
0x38: {  	s10 =	sld [smem:$0x3FBA]  }
0x39: {  	_ = 	snop;
	(pc) =	sbr.ind lr, $3  }
0x3a: {  	_ = 	snop  }
0x3b: {  	_ = 	snop  }
0x3c: {  	p2 =	seq.s32 s10, $0x1;
	s10 =	sld [smem:$0x3FB9]  }
0x3d: {  	_ =	shalt  }
0x3e: {  	_ =	shalt  }
0x3f: {  	_ =	shalt  }
0x40: {  	_ =	shalt  }
0x41: {  	_ =	shalt  }
0x42: {  	_ =	shalt  }
0x43: {  	_ =	shalt  }
0x44: {  	_ =	shalt  }
0x45: {  	_ =	shalt  }
0x46: {  	_ =	shalt  }
0x47: {  	_ =	shalt  }
0x48: {  	_ =	shalt  }
0x49: {  	_ =	shalt  }
0x4a: {  	_ =	shalt  }
0x4b: {  	_ =	shalt  }
0x4c: {  	_ =	shalt  }
0x4d: {  	_ =	shalt  }
0x4e: {  	_ =	shalt  }
0x4f: {  	_ =	shalt  }
0x50: {  	_ =	shalt  }
0x51: {  	_ =	shalt  }
0x52: {  	_ =	shalt  }
0x53: {  	_ =	shalt  }
0x54: {  	_ =	shalt  }
0x55: {  	_ =	shalt  }
0x56: {  	_ =	shalt  }
0x57: {  	_ =	shalt  }
0x58: {  	_ =	shalt  }
0x59: {  	_ =	shalt  }
0x5a: {  	_ =	shalt  }
0x5b: {  	_ =	shalt  }
0x5c: {  	_ =	shalt  }
0x5d: {  	_ =	shalt  }
0x5e: {  	_ =	shalt  }
0x5f: {  	_ =	shalt  }
0x60: {  	_ =	shalt  }
0x61: {  	_ =	shalt  }
0x62: {  	_ =	shalt  }
0x63: {  	_ =	shalt  }
0x64: {  	_ =	shalt  }
0x65: {  	_ =	shalt  }
0x66: {  	_ =	shalt  }
0x67: {  	_ =	shalt  }
0x68: {  	_ =	shalt  }
0x69: {  	_ =	shalt  }
0x6a: {  	_ =	shalt  }
0x6b: {  	_ =	shalt  }
0x6c: {  	_ =	shalt  }
0x6d: {  	_ =	shalt  }
0x6e: {  	_ =	shalt  }
0x6f: {  	_ =	shalt  }
0x70: {  	_ =	shalt  }
0x71: {  	_ =	shalt  }
0x72: {  	_ =	shalt  }
0x73: {  	_ =	shalt  }
0x74: {  	_ =	shalt  }
0x75: {  	_ =	shalt  }
0x76: {  	_ =	shalt  }
0x77: {  	_ =	shalt  }
0x78: {  	_ =	shalt  }
0x79: {  	_ =	shalt  }
0x7a: {  	_ =	shalt  }
0x7b: {  	_ =	shalt  }
0x7c: {  	_ =	shalt  }
0x7d: {  	_ =	shalt  }
0x7e: {  	_ =	shalt  }
0x7f: {  	_ =	shalt  }
0x80: {  	_ =	shalt  }
0x81: {  	_ =	shalt  }
0x82: {  	_ =	shalt  }
0x83: {  	_ =	shalt  }
0x84: {  	_ =	shalt  }
0x85: {  	_ =	shalt  }
0x86: {  	_ =	shalt  }
0x87: {  	_ =	shalt  }
.Lfunc_end0:
.L_simem_size_0:
called_computation_lowered:
.L_overlay_start_0:
0x88: {  	s2 =	sld [smem:$0x3FD9]  }
0x89: {  	s3 =	sld [smem:$0x3FFE];
	_ =	sdelay $0x1  }
0x8a: {  	s1 =	srdreg.scid  }
0x8b: {  	s0 =	sand.u32 $0x1, s1  }
0x8c: {  	s14 =	sshll.u32 s0, $0xA;
	s2 =	sadd.s32 s3, s2  }
0x8d: {  	s2 =	sadd.s32 s2, s14  }
0x8e: {  	[smem:$0x3FC5] =	sst s2  }
0x8f: {  	_ = 	snop  }
0x90: {  	s2 =	sld [smem:$0x3FD0];
	_ =	sdelay $0x2  }
0x91: {  	s15 =	simm.s32 $0xA;
	s4 =	simm.s32 $0x10  }
0x92: {  	[smem:s4], [sflag:s15] =	dma.local [hbm:s2], $0x1  }
0x93: {  	_ =	swait.eq [sflag:s15], $0x1  }
0x94: {  	[sflag:s15] =	ssyncset.done $0x0  }
0x95: {  	[sflag:s15] =	ssyncadd.s32 $0xFFFFFFFF  }
0x96: {  	s16 =	sld [smem:$0x10];
	(tm) =	ssettm $0x1  }
0x97: {  	s17 =	sld [smem:$0x3FFB];
	_ =	sdelay $0x3  }
0x98: {  	_ =	strace s17  }
0x99: {  	s3 =	sld [smem:$0x3FFC];
	_ =	sdelay $0x3  }
0x9a: {  	_ =	strace s3  }
0x9b: {  	s3 =	sld [smem:$0x3FFD];
	_ =	sdelay $0x3  }
0x9c: {  	_ =	strace s3  }
0x9d: {  	_ =	strace $0x8FFFFFFF  }
0x9e: {  	s18 =	sld [smem:$0x3FDB];
	_ =	sdelay $0x1  }
0x9f: {  	s19 =	simm.s32 $_scs_section_size  }
0xa0: {  	s5 =	simm.s32 $_size__tile_overlayer_lowered;
	s6 =	simm.s32 $_tile_overlayer_lowered  }
0xa1: {  	s22 =	simm.s32 $0x1BFF;
	s21 =	sshll.u32 s6, $0x1;
	s3 =	sadd.s32 s19, s18  }
0xa2: {  	s7 =	simm.s32 $0x0;
	s20 =	sshll.u32 s5, $0x1;
	s5 =	sadd.s32 s21, s3  }
0xa3: {  	[timem:s7], [sflag:s22] =	dma.local [hbm:s5], s20  }
0xa4: {  	_ =	swait.ge [sflag:s22], s20  }
0xa5: {  	s4 =	ssub.s32 $0x0, s20;
	[sflag:s22] =	ssyncset.done $0x0  }
0xa6: {  	[sflag:s22] =	ssyncadd.s32 s4;
	_ =	sdelay $0x1  }
0xa7: {  	s23 =	simm.s32 $0x1B8B  }
0xa8: {  	_ =	swait.ge [sflag:s23], $0x1  }
0xa9: {  	[sflag:s23] =	ssyncset.done $0x0  }
0xaa: {  	s25 =	simm.s32 $0x1B8E;
	s24 =	sld [smem:$0x3FFE];
	[sflag:s23] =	ssyncadd.s32 $0xFFFFFFFF  }
0xab: {  	s26 =	simm.s32 $execute0_lowered;
	[smem:$0x3FD2] =	sst s25  }
0xac: {  	s5 =	sshll.u32 s26, $0x1;
	_ =	strace $0x80000046;
	[dreg:$0x1] =	wrdreg $0xFFFFFFFF  }
0xad: {  	s28 =	simm.s32 $_size_execute0_lowered;
	s3 =	sadd.s32 s3, s5;
	[dreg:$0x0] =	wrdreg $0x0  }
0xae: {  	s5 =	sshll.u32 s28, $0x1;
	[dreg:$0x2] =	wrdreg s3  }
0xaf: {  	[dreg:$0x3] =	wrdreg s5  }
0xb0: {  	[dreg:$0x4] =	wrdreg $0xC0  }
0xb1: {  	_ =	task [dreg:s7], $0x5FFFF  }
0xb2: {  	[dreg:$0x1] =	wrdreg $0xFFFFFFFF  }
0xb3: {  	[dreg:$0x0] =	wrdreg $0x60  }
0xb4: {  	[dreg:$0x2] =	wrdreg s24  }
0xb5: {  	[dreg:$0x3] =	wrdreg s16  }
0xb6: {  	[dreg:$0x4] =	wrdreg $0x9  }
0xb7: {  	_ =	task.clear_ibuf [dreg:s7], $0x5FFFF;
	_ =	strace $0x90000046  }
0xb8: {  	s29 =	simm.s32 $0x9;
	_ =	strace $0x80000048  }
0xb9: {  	_ =	swait.ge [sflag:s29], $0x1  }
0xba: {  	[sflag:s29] =	ssyncadd.s32 $0xFFFFFFFF  }
0xbb: {  	_ =	strace $0x90000048  }
0xbc: {  	_ =	sfence  }
0xbd: {  	s30 =	sld [smem:$0x0];
	_ =	sdelay $0x2  }
0xbe: {  	s31 =	sshll.u32 s1, $0xD;
	s1 =	sshrl.u32 s1, $0x2  }
0xbf: {  	s3 =	sand.u32 $0x4000, s31;
	s1 =	sadd.s32 s1, s30  }
0xc0: {  	s0 =	sor.u32 s3, s0;
	s1 =	sshll.u32 s1, $0x11  }
0xc1: {  	s0 =	sor.u32 s1, s0  }
0xc2: {  	s0 =	sadd.s32 $0x8F2B, s0  }
0xc3: {  	[sflag:s0] =	ssyncadd.remote.s32 $0x1  }
0xc4: {  	_ =	sfence.sel $0xFFFF  }
0xc5: {  	[dreg:$0x0] =	wrdreg $0xFFFFFFFF;
	(pc) =	sbr.abs _section_cstart, $3  }
0xc6: {  	[dreg:$0x1] =	wrdreg $0xFFFFFFFF  }
0xc7: {  	_ =	task.clear_ibuf [dreg:s7], $0x2FFFF;
	_ =	strace $0x9FFFFFFF  }
0xc8: {  	(tm) =	ssettm $0x7FFFFFFF  }
0xc9: {  	_ =	shalt  }
tec
execute0_lowered:
.L_overlay_start_1:
0x0: {  	(tag) =	ssettag $0x1  }
0x1: {  	s0 =	rddreg [dreg:$0x0]  }
0x2: {  	s2 =	rddreg [dreg:$0x1];
	s1 =	srdreg.scid  }
0x3: {  	s4 =	stileid.u32;
	s3 =	simm.s32 $0x0;
	s14 =	simm.s32 $0x7  }
0x4: {  	s17 =	simm.s32 $0x7000;
	s18 =	simm.s32 $0x7400;
	s19 =	simm.s32 $0x11B00  }
0x5: {  	s20 =	simm.s32 $0x1;
	s21 =	simm.s32 $0x9380;
	s22 =	simm.s32 $0x12300  }
0x6: {  	s23 =	simm.s32 $0x5;
	s28 =	simm.s32 $0x3;
	s29 =	simm.s32 $0x4  }
0x7: {  	s31 =	simm.s32 $0x0;
	s1 =	sand.u32 $0x1, s1;
	s4 =	sshll.u32 s4, $0x1  }
0x8: {  	[smem:$0x7FF] =	sst s3;
	s5 =	sadd.s32 $0x3B600, s0;
	s10 =	sadd.s32 $0x5AA00, s0  }
0x9: {  	s6 =	sor.u32 s1, s4;
	_ =	strace $0x80000047;
	s4 =	sadd.s32 $0x1CC00, s0  }
0xa: {  	[dreg:$0x3] =	wrdreg s10;
	s1 =	ssub.s32 $0x2, s1;
	s7 =	smul.u32 $0x680, s6  }
0xb: {  	s8 =	sshll.u32 s6, $0x8;
	s24 =	smul.u32 $0x19, s6;
	s25 =	sshrl.u32 s1, $0x1  }
0xc: {  	s6 =	sshll.u32 s6, $0x4;
	s8 =	sadd.s32 s8, s0;
	s1 =	ssub.s32 s1, s25  }
0xd: {  	s25 =	simm.s32 $0x2;
	s9 =	sadd.s32 s7, s0;
	s0 =	sadd.s32 s6, s0  }
0xe: {  	s26 =	sshrl.u32 s24, $0x1;
	s7 =	sadd.s32 $0xDC00, s8;
	s13 =	smax.u32 s1, $0x1  }
0xf: {  	s24 =	simm.s32 $0xB300;
	s30 =	sshll.u32 s26, $0x7;
	s8 =	sadd.s32 $0xC00, s9  }
0x10: {  	v1 =	vlaneseq.u32;
	s9 =	sadd.s32 $0xFC00, s9;
	s10 =	sshll.u32 s26, $0xA;
	s6 =	sadd.s32 s30, s2  }
0x11: {  	v0 =	vimm.f32 $0.0e+00;
	vm0 =	vmmov $0xffff;
	v1 =	vmul.u32 $0x80, v1;
	s12 =	sadd.s32 $0x5AC00, s0;
	s26 =	simm.s32 $0xE700;
	s11 =	sadd.s32 $0x60E000, s6  }
.LBB2_1:
0x12: {  	[tilespmem:s3], [sflag:$0x7] =	stream.linear.gather [hbm4b:s7+s3], $0x680, $0x38;
	[tilespmem:$0x12B80] =	vst v63  }
0x13: {  	_ =	swait.ge [sflag:s14], $0x680  }
0x14: {  	[sflag:s14] =	ssyncset.done $0x0  }
0x15: {  	s0 =	simm.s32 $0x800;
	[sflag:s14] =	ssyncadd.s32 $0xFFFFF980  }
0x16: {  	[tilespmem:s0], [sflag:$0x7] =	stream.linear.gather [hbm4b:s8+s3], $0x3200, $0x38;
	[tilespmem:$0x12B80] =	vst v63  }
0x17: {  	_ =	swait.ge [sflag:s14], $0x3200  }
0x18: {  	[sflag:s14] =	ssyncset.done $0x0  }
0x19: {  	s16 =	simm.s32 $0x3C00;
	[sflag:s14] =	ssyncadd.s32 $0xFFFFCE00  }
0x1a: {  	[tilespmem:s16], [sflag:$0x7] =	stream.linear.gather [hbm4b:s9+s3], $0x3200, $0x38;
	[tilespmem:$0x12B80] =	vst v63  }
0x1b: {  	_ =	swait.ge [sflag:s14], $0x3200  }
0x1c: {  	[sflag:s14] =	ssyncset.done $0x0  }
0x1d: {  	s30 =	rddreg [dreg:$0x3];
	[sflag:s14] =	ssyncadd.s32 $0xFFFFCE00  }
0x1e: {  	[tilespmem:s17], [sflag:$0x7] =	stream.linear.gather [hbm4b:s30+s3], $0x400, $0x38;
	[tilespmem:$0x12B80] =	vst v63  }
0x1f: {  	_ =	swait.ge [sflag:s14], $0x400  }
0x20: {  	[sflag:s14] =	ssyncset.done $0x0  }
0x21: {  	[sflag:s14] =	ssyncadd.s32 $0xFFFFFC00  }
0x22: {  	[tilespmem:$0x12B00] =	vst v0  }
0x23: {  	[tilespmem:s18], [sflag:$0x1] =	stream.linear.gather [hbm4b:s4+s3], $0x1F40, $0x38;
	[tilespmem:$0x12B80] =	vst v63  }
0x24: {  	v2 =	vld [tilespmem:$0x800]  }
0x25: {  	v3 =	vld [tilespmem:$0x3C00];
	_ =	sdelay $0x4  }
0x26: {  	v2 =	vshll.u32 v2, $0x3;
	v3 =	vshrl.u32 v3, $0x7  }
0x27: {  	v2 =	vadd.s32 v2, v3;
	_ =	sdelay $0x3  }
0x28: {  	s0 =	simm.s32 $0x0  }
0x29: {  	[tilespmem:s19], [sflag:$0x5] =	stream.indirect_vreg.gather [hbm4b:s5+s3], $0x80, v2, vm0, $0xb8;
	[tilespmem:$0x12B80] =	vst v63  }
.LBB2_2:
0x2a: {  	s1 =	sshllo.u32 s0, $0x1  }
0x2b: {  	_ =	swait.ge [sflag:s20], $0x1F40;
	s6 =	smul.u32 $0x3E8, s1  }
0x2c: {  	[sflag:s20] =	ssyncset.done $0x0  }
0x2d: {  	p1 =	seq.s32 s0, $0x0;
	[sflag:s20] =	ssyncadd.s32 $0xFFFFE0C0;
	s6 =	sadd.s32 s4, s6  }
0x2e: {  	[tilespmem:s21], [sflag:$0x2] =	stream.linear.gather [hbm4b:s6+s3], $0x1F40, $0x38;
	[tilespmem:$0x12B80] =	vst v63  }
0x2f: {  	s6 =	simm.s32 @!p1 $0x3  }
0x30: {  	p0 =	sgt.u32 @!p1 s0, $0x31;
	_ =	swait.ge @!p1 [sflag:s6], $0x3400  }
0x31: {  	p2 =	por p1, !p0;
	[sflag:s6] =	ssyncset.done @!p1 $0x0  }
0x32: {  	[sflag:s6] =	ssyncadd.s32 @!p1 $0xFFFFCC00;
	s6 =	sshll.u32 @p2 s1, $0x7  }
0x33: {  	v2 =	vld @p2 [tilespmem:s6+$0x800]  }
0x34: {  	v3 =	vld @p2 [tilespmem:s6+$0x3C00];
	_ =	sdelay $0x4  }
0x35: {  	v2 =	vshll.u32 @p2 v2, $0x3;
	v3 =	vshrl.u32 @p2 v3, $0x7  }
0x36: {  	v2 =	vadd.s32 @p2 v2, v3;
	_ =	sdelay $0x4  }
0x37: {  	[tilespmem:s22], [sflag:$0x6] =	stream.indirect_vreg.gather @p2 [hbm4b:s5+s3], $0x80, v2, vm0, $0xb8;
	[tilespmem:$0x12B80] =	vst v63  }
0x38: {  	_ =	swait.ge @p2 [sflag:s23], $0x800  }
0x39: {  	[sflag:s23] =	ssyncset.done @p2 $0x0  }
0x3a: {  	s6 =	sshll.u32 @p2 s0, $0x8;
	[sflag:s23] =	ssyncadd.s32 @p2 $0xFFFFF800  }
0x3b: {  	v2 =	vld @p2 [tilespmem:s6+$0x3C00];
	_ =	sdelay $0x1  }
0x3c: {  	v3 =	vld @p2 [tilespmem:s6+$0x800];
	_ =	sdelay $0x2  }
0x3d: {  	v2 =	vand.u32 @p2 $0x7F, v2  }
0x3e: {  	v2 =	vor.u32 @p2 v1, v2;
	_ =	sdelay $0x3  }
0x3f: {  	v3 =	vld.idx.msk @p2 [tilespmem:v3+s17+$0x0], $0xffff  }
0x40: {  	v2 =	vld.idx.msk @p2 [tilespmem:v2+s19+$0x0], $0xffff;
	_ =	sdelay $0x1  }
0x41: {  	v4 =	vld @p2 [tilespmem:$0x12B00];
	_ =	sdelay $0x2  }
0x42: {  	v2 =	vsub.f32 @p2 v3, v2;
	_ =	sdelay $0x1  }
0x43: {  	v2 =	vadd.f32 @p2 v2, v4;
	_ =	sdelay $0x1  }
0x44: {  	s16 =	simm.s32 $0x40;
	[tilespmem:$0x12B00] =	vst @p2 v2  }
0x45: {  	v9 =	vld [tilespmem:s16+$0x30]  }
0x46: {  	v7 =	vld [tilespmem:s16+$0xFFFFFFD0]  }
0x47: {  	v6 =	vld [tilespmem:s16+$0xFFFFFFE0]  }
0x48: {  	v5 =	vld [tilespmem:s16+$0xFFFFFFF0]  }
0x49: {  	v4 =	vld [tilespmem:s16+$0x0]  }
0x4a: {  	v3 =	vld [tilespmem:s16+$0x10]  }
0x4b: {  	v2 =	vld [tilespmem:s16+$0x20]  }
0x4c: {  	v8 =	vld [tilespmem:s16+$0xFFFFFFC0]  }
0x4d: {  	v10 =	vld.idx.msk [tilespmem:v9+s18+$0x0], $0xffff  }
0x4e: {  	v11 =	vld.idx.msk [tilespmem:v7+s18+$0x0], $0xffff  }
0x4f: {  	v12 =	vld.idx.msk [tilespmem:v6+s18+$0x0], $0xffff  }
0x50: {  	v13 =	vadd.s32 $0x3E8, v9;
	v14 =	vld.idx.msk [tilespmem:v5+s18+$0x0], $0xffff  }
0x51: {  	v15 =	vadd.s32 $0x3E8, v7;
	v16 =	vld.idx.msk [tilespmem:v4+s18+$0x0], $0xffff  }
0x52: {  	s15 =	simm.s32 $0xB500;
	v17 =	vadd.s32 $0x3E8, v6;
	v18 =	vld.idx.msk [tilespmem:v3+s18+$0x0], $0xffff  }
0x53: {  	v19 =	vadd.s32 $0x3E8, v5;
	v20 =	vld.idx.msk [tilespmem:v2+s18+$0x0], $0xffff;
	[tilespmem:s15+$0xFFFFFE70] =	vst v10  }
0x54: {  	v56 =	vadd.s32 $0x3E8, v3;
	v21 =	vld.idx.msk [tilespmem:v8+s18+$0x0], $0xffff;
	[tilespmem:s15+$0xFFFFFE10] =	vst v11  }
0x55: {  	v59 =	vadd.s32 $0x3E8, v8;
	[tilespmem:s15+$0xFFFFFE20] =	vst v12;
	v11 =	vld.idx.msk [tilespmem:v13+s18+$0x0], $0xffff  }
0x56: {  	v60 =	vadd.s32 $0x3E8, v2;
	[tilespmem:s15+$0xFFFFFE30] =	vst v14;
	v57 =	vld.idx.msk [tilespmem:v15+s18+$0x0], $0xffff  }
0x57: {  	v10 =	vadd.s32 $0x3E8, v4;
	[tilespmem:s15+$0xFFFFFE40] =	vst v16;
	v17 =	vld.idx.msk [tilespmem:v17+s18+$0x0], $0xffff  }
0x58: {  	v58 =	vadd.s32 $0x7D0, v9;
	[tilespmem:s15+$0xFFFFFE50] =	vst v18;
	v19 =	vld.idx.msk [tilespmem:v19+s18+$0x0], $0xffff  }
0x59: {  	v61 =	vadd.s32 $0x7D0, v7;
	[tilespmem:s15+$0xFFFFFE00] =	vst v21;
	v13 =	vld.idx.msk [tilespmem:v56+s18+$0x0], $0xffff  }
0x5a: {  	v62 =	vadd.s32 $0x7D0, v6;
	[tilespmem:s15+$0xFFFFFE60] =	vst v20;
	v15 =	vld.idx.msk [tilespmem:v59+s18+$0x0], $0xffff  }
0x5b: {  	v26 =	vadd.s32 $0x7D0, v8;
	v24 =	vld.idx.msk [tilespmem:v60+s18+$0x0], $0xffff;
	[tilespmem:s15+$0xFFFFFEF0] =	vst v11  }
0x5c: {  	v27 =	vadd.s32 $0x7D0, v3;
	v10 =	vld.idx.msk [tilespmem:v10+s18+$0x0], $0xffff;
	[tilespmem:s15+$0xFFFFFE90] =	vst v57  }
0x5d: {  	v11 =	vadd.s32 $0x7D0, v5;
	[tilespmem:s15+$0xFFFFFEA0] =	vst v17;
	v14 =	vld.idx.msk [tilespmem:v58+s18+$0x0], $0xffff  }
0x5e: {  	v63 =	vadd.s32 $0x7D0, v4;
	[tilespmem:s15+$0xFFFFFEB0] =	vst v19;
	v18 =	vld.idx.msk [tilespmem:v61+s18+$0x0], $0xffff  }
0x5f: {  	v25 =	vadd.s32 $0xBB8, v9;
	[tilespmem:s15+$0xFFFFFE80] =	vst v15;
	v20 =	vld.idx.msk [tilespmem:v62+s18+$0x0], $0xffff  }
0x60: {  	v28 =	vadd.s32 $0xBB8, v7;
	[tilespmem:s15+$0xFFFFFED0] =	vst v13;
	v17 =	vld.idx.msk [tilespmem:v26+s18+$0x0], $0xffff  }
0x61: {  	v29 =	vadd.s32 $0xBB8, v6;
	[tilespmem:s15+$0xFFFFFEE0] =	vst v24;
	v32 =	vld.idx.msk [tilespmem:v27+s18+$0x0], $0xffff  }
0x62: {  	v34 =	vadd.s32 $0xBB8, v8;
	[tilespmem:s15+$0xFFFFFEC0] =	vst v10;
	v11 =	vld.idx.msk [tilespmem:v11+s18+$0x0], $0xffff  }
0x63: {  	v10 =	vadd.s32 $0x7D0, v2;
	v21 =	vld.idx.msk [tilespmem:v63+s18+$0x0], $0xffff;
	[tilespmem:s15+$0xFFFFFF70] =	vst v14  }
0x64: {  	v31 =	vadd.s32 $0xBB8, v5;
	[tilespmem:s15+$0xFFFFFF10] =	vst v18;
	v30 =	vld.idx.msk [tilespmem:v25+s18+$0x0], $0xffff  }
0x65: {  	v35 =	vadd.s32 $0xBB8, v4;
	[tilespmem:s15+$0xFFFFFF20] =	vst v20;
	v13 =	vld.idx.msk [tilespmem:v28+s18+$0x0], $0xffff  }
0x66: {  	v33 =	vadd.s32 $0xFA0, v9;
	[tilespmem:s15+$0xFFFFFF00] =	vst v17;
	v14 =	vld.idx.msk [tilespmem:v29+s18+$0x0], $0xffff  }
0x67: {  	v37 =	vadd.s32 $0xFA0, v7;
	[tilespmem:s15+$0xFFFFFF50] =	vst v32;
	v19 =	vld.idx.msk [tilespmem:v34+s18+$0x0], $0xffff  }
0x68: {  	v39 =	vadd.s32 $0xFA0, v6;
	v10 =	vld.idx.msk [tilespmem:v10+s18+$0x0], $0xffff;
	[tilespmem:s15+$0xFFFFFF30] =	vst v11  }
0x69: {  	v41 =	vadd.s32 $0xFA0, v8;
	[tilespmem:s15+$0xFFFFFF40] =	vst v21;
	v16 =	vld.idx.msk [tilespmem:v31+s18+$0x0], $0xffff  }
0x6a: {  	v11 =	vadd.s32 $0xBB8, v3;
	v40 =	vld.idx.msk [tilespmem:v35+s18+$0x0], $0xffff;
	[tilespmem:s15+$0xFFFFFFF0] =	vst v30  }
0x6b: {  	v36 =	vadd.s32 $0xBB8, v2;
	[tilespmem:s15+$0xFFFFFF90] =	vst v13;
	v38 =	vld.idx.msk [tilespmem:v33+s18+$0x0], $0xffff  }
0x6c: {  	v42 =	vadd.s32 $0xFA0, v5;
	[tilespmem:s15+$0xFFFFFFA0] =	vst v14;
	v15 =	vld.idx.msk [tilespmem:v37+s18+$0x0], $0xffff  }
0x6d: {  	v44 =	vadd.s32 $0xFA0, v4;
	[tilespmem:s15+$0xFFFFFF80] =	vst v19;
	v18 =	vld.idx.msk [tilespmem:v39+s18+$0x0], $0xffff  }
0x6e: {  	v20 =	vld.idx.msk [tilespmem:v41+s18+$0x0], $0xffff;
	[tilespmem:s15+$0xFFFFFF60] =	vst v10;
	v10 =	vadd.s32 $0x1388, v9  }
0x6f: {  	v47 =	vadd.s32 $0x1388, v7;
	v11 =	vld.idx.msk [tilespmem:v11+s18+$0x0], $0xffff;
	[tilespmem:s15+$0xFFFFFFB0] =	vst v16  }
0x70: {  	v49 =	vadd.s32 $0x1388, v8;
	v43 =	vld.idx.msk [tilespmem:v36+s18+$0x0], $0xffff;
	[tilespmem:s15+$0xFFFFFFC0] =	vst v40  }
0x71: {  	v50 =	vadd.s32 $0x1388, v6;
	v48 =	vld.idx.msk [tilespmem:v42+s18+$0x0], $0xffff;
	[tilespmem:s15+$0x70] =	vst v38  }
0x72: {  	v45 =	vadd.s32 $0xFA0, v3;
	v21 =	vld.idx.msk [tilespmem:v44+s18+$0x0], $0xffff;
	[tilespmem:s15+$0x10] =	vst v15  }
0x73: {  	v46 =	vadd.s32 $0xFA0, v2;
	[tilespmem:s15+$0x20] =	vst v18;
	v10 =	vld.idx.msk [tilespmem:v10+s18+$0x0], $0xffff  }
0x74: {  	v52 =	vadd.s32 $0x1388, v5;
	[tilespmem:s15+$0x0] =	vst v20;
	v19 =	vld.idx.msk [tilespmem:v47+s18+$0x0], $0xffff  }
0x75: {  	v13 =	vld.idx.msk [tilespmem:v49+s18+$0x0], $0xffff;
	[tilespmem:s15+$0xFFFFFFD0] =	vst v11;
	v11 =	vadd.s32 $0x1770, v9  }
0x76: {  	v53 =	vadd.s32 $0x1388, v4;
	v55 =	vld.idx.msk [tilespmem:v50+s18+$0x0], $0xffff;
	[tilespmem:s15+$0xFFFFFFE0] =	vst v43  }
0x77: {  	v56 =	vadd.s32 $0x1770, v8;
	v51 =	vld.idx.msk [tilespmem:v45+s18+$0x0], $0xffff;
	[tilespmem:s15+$0x30] =	vst v48  }
0x78: {  	v57 =	vadd.s32 $0x1770, v7;
	v17 =	vld.idx.msk [tilespmem:v46+s18+$0x0], $0xffff;
	[tilespmem:s15+$0x40] =	vst v21  }
0x79: {  	v54 =	vadd.s32 $0x1388, v2;
	v16 =	vld.idx.msk [tilespmem:v52+s18+$0x0], $0xffff;
	[tilespmem:s15+$0xF0] =	vst v10  }
0x7a: {  	v10 =	vadd.s32 $0x1388, v3;
	[tilespmem:s15+$0x90] =	vst v19;
	v11 =	vld.idx.msk [tilespmem:v11+s18+$0x0], $0xffff  }
0x7b: {  	v9 =	vadd.s32 $0x1B58, v9;
	v18 =	vld.idx.msk [tilespmem:v53+s18+$0x0], $0xffff;
	[tilespmem:s15+$0x80] =	vst v13  }
0x7c: {  	v58 =	vadd.s32 $0x1770, v6;
	[tilespmem:s15+$0xA0] =	vst v55;
	v14 =	vld.idx.msk [tilespmem:v56+s18+$0x0], $0xffff  }
0x7d: {  	v59 =	vadd.s32 $0x1770, v5;
	v15 =	vld.idx.msk [tilespmem:v57+s18+$0x0], $0xffff;
	[tilespmem:s15+$0x60] =	vst v17  }
0x7e: {  	v8 =	vadd.s32 $0x1B58, v8;
	[tilespmem:s15+$0x50] =	vst v51;
	v20 =	vld.idx.msk [tilespmem:v54+s18+$0x0], $0xffff  }
0x7f: {  	v10 =	vld.idx.msk [tilespmem:v10+s18+$0x0], $0xffff;
	[tilespmem:s15+$0x170] =	vst v11;
	v11 =	vadd.s32 $0x1770, v4  }
0x80: {  	v60 =	vadd.s32 $0x1770, v3;
	[tilespmem:s15+$0xB0] =	vst v16;
	v9 =	vld.idx.msk [tilespmem:v9+s18+$0x0], $0xffff  }
0x81: {  	v61 =	vadd.s32 $0x1770, v2;
	v62 =	vld.idx.msk [tilespmem:v58+s18+$0x0], $0xffff;
	[tilespmem:s15+$0xC0] =	vst v18  }
0x82: {  	v7 =	vadd.s32 $0x1B58, v7;
	v63 =	vld.idx.msk [tilespmem:v59+s18+$0x0], $0xffff;
	[tilespmem:s15+$0x100] =	vst v14  }
0x83: {  	v5 =	vadd.s32 $0x1B58, v5;
	v14 =	vld.idx.msk [tilespmem:v8+s18+$0x0], $0xffff;
	[tilespmem:s15+$0xE0] =	vst v20  }
0x84: {  	[tilespmem:s15+$0xD0] =	vst v10;
	v10 =	vadd.s32 $0x1B58, v6;
	v11 =	vld.idx.msk [tilespmem:v11+s18+$0x0], $0xffff  }
0x85: {  	v13 =	vld.idx.msk [tilespmem:v60+s18+$0x0], $0xffff;
	[tilespmem:s15+$0x1F0] =	vst v9;
	v9 =	vadd.s32 $0x1B58, v4  }
0x86: {  	v3 =	vadd.s32 $0x1B58, v3;
	[tilespmem:s15+$0x110] =	vst v15;
	v12 =	vld.idx.msk [tilespmem:v61+s18+$0x0], $0xffff  }
0x87: {  	v2 =	vadd.s32 $0x1B58, v2;
	v6 =	vld.idx.msk [tilespmem:v7+s18+$0x0], $0xffff;
	[tilespmem:s15+$0x130] =	vst v63  }
0x88: {  	[tilespmem:s15+$0x120] =	vst v62;
	v4 =	vld.idx.msk [tilespmem:v5+s18+$0x0], $0xffff  }
0x89: {  	v7 =	vld.idx.msk [tilespmem:v10+s18+$0x0], $0xffff;
	[tilespmem:s15+$0x140] =	vst v11  }
0x8a: {  	[tilespmem:s15+$0x150] =	vst v13;
	v8 =	vld.idx.msk [tilespmem:v9+s18+$0x0], $0xffff  }
0x8b: {  	s30 =	simm.s32 $0x0;
	p0 =	por @!p1 $0x0, $0x0;
	[tilespmem:s15+$0x160] =	vst v12;
	v5 =	vld.idx.msk [tilespmem:v3+s18+$0x0], $0xffff  }
0x8c: {  	p0 =	por @p2 $0x1, $0x1;
	s6 =	simm.s32 $0xC0;
	s16 =	sshll.u32 s0, $0x1;
	[tilespmem:s15+$0x180] =	vst v14;
	v3 =	vld.idx.msk [tilespmem:v2+s18+$0x0], $0xffff  }
.LBB2_3:
0x8d: {  	v2 =	vld [tilespmem:s6+$0x30];
	s30 =	sadd.s32 $0x8, s30;
	[tilespmem:s15+$0x190] =	vst v6  }
0x8e: {  	v9 =	vld [tilespmem:s6+$0xFFFFFFD0];
	p2 =	slt.u32 s30, $0x60;
	[tilespmem:s15+$0x1A0] =	vst v7  }
0x8f: {  	v7 =	vld [tilespmem:s6+$0xFFFFFFE0];
	[tilespmem:s15+$0x1B0] =	vst v4  }
0x90: {  	v4 =	vld [tilespmem:s6+$0xFFFFFFF0];
	[tilespmem:s15+$0x1C0] =	vst v8  }
0x91: {  	v8 =	vld [tilespmem:s6+$0x0];
	[tilespmem:s15+$0x1D0] =	vst v5  }
0x92: {  	v5 =	vld [tilespmem:s6+$0x10];
	[tilespmem:s15+$0x1E0] =	vst v3  }
0x93: {  	v3 =	vadd.s32 $0x3E8, v9;
	v23 =	vadd.s32 $0x7D0, v9;
	v24 =	vadd.s32 $0xBB8, v9;
	v25 =	vld [tilespmem:s6+$0x20]  }
0x94: {  	v6 =	vld [tilespmem:s6+$0xFFFFFFC0];
	v10 =	vadd.s32 $0x3E8, v7;
	v26 =	vadd.s32 $0x7D0, v7;
	v27 =	vadd.s32 $0xBB8, v7  }
0x95: {  	v11 =	vadd.s32 $0x3E8, v4;
	v28 =	vadd.s32 $0x7D0, v4;
	v29 =	vadd.s32 $0xBB8, v4;
	v12 =	vld.idx.msk [tilespmem:v2+s18+$0x0], $0xffff  }
0x96: {  	v13 =	vld.idx.msk [tilespmem:v9+s18+$0x0], $0xffff;
	v14 =	vadd.s32 $0x3E8, v8;
	v30 =	vadd.s32 $0x7D0, v8;
	v31 =	vadd.s32 $0xBB8, v8  }
0x97: {  	v16 =	vadd.s32 $0x3E8, v2;
	v15 =	vld.idx.msk [tilespmem:v7+s18+$0x0], $0xffff;
	v32 =	vadd.s32 $0x3E8, v5;
	v33 =	vadd.s32 $0x7D0, v5  }
0x98: {  	v34 =	vadd.s32 $0xBB8, v5;
	v18 =	vld.idx.msk [tilespmem:v4+s18+$0x0], $0xffff;
	v35 =	vadd.s32 $0x3E8, v25;
	v36 =	vadd.s32 $0x7D0, v25  }
0x99: {  	v37 =	vadd.s32 $0x3E8, v6;
	v38 =	vadd.s32 $0x7D0, v6;
	v39 =	vadd.s32 $0xBB8, v6;
	v22 =	vld.idx.msk [tilespmem:v8+s18+$0x0], $0xffff  }
0x9a: {  	s15 =	sadd.s32 $0x400, s15;
	v41 =	vadd.s32 $0xFA0, v9;
	v43 =	vadd.s32 $0xBB8, v25;
	v40 =	vadd.s32 $0xFA0, v6;
	v42 =	vld.idx.msk [tilespmem:v5+s18+$0x0], $0xffff  }
0x9b: {  	v44 =	vadd.s32 $0xFA0, v7;
	v45 =	vadd.s32 $0xFA0, v4;
	v46 =	vadd.s32 $0xFA0, v8;
	v47 =	vld.idx.msk [tilespmem:v25+s18+$0x0], $0xffff;
	[tilespmem:s15+$0xFFFFFE70] =	vst v12  }
0x9c: {  	v48 =	vadd.s32 $0xFA0, v5;
	v49 =	vadd.s32 $0xFA0, v25;
	v17 =	vadd.s32 $0x1388, v6;
	[tilespmem:s15+$0xFFFFFE10] =	vst v13;
	v50 =	vld.idx.msk [tilespmem:v16+s18+$0x0], $0xffff  }
0x9d: {  	v52 =	vadd.s32 $0x1388, v9;
	v21 =	vadd.s32 $0x1388, v7;
	v19 =	vadd.s32 $0x1388, v4;
	v51 =	vld.idx.msk [tilespmem:v6+s18+$0x0], $0xffff;
	[tilespmem:s15+$0xFFFFFE20] =	vst v15  }
0x9e: {  	v54 =	vadd.s32 $0x7D0, v2;
	v20 =	vadd.s32 $0x1388, v8;
	v53 =	vld.idx.msk [tilespmem:v3+s18+$0x0], $0xffff;
	[tilespmem:s15+$0xFFFFFE30] =	vst v18;
	v18 =	vadd.s32 $0x1388, v5  }
0x9f: {  	v12 =	vadd.s32 $0x1770, v9;
	v15 =	vadd.s32 $0x1770, v6;
	v55 =	vld.idx.msk [tilespmem:v10+s18+$0x0], $0xffff;
	[tilespmem:s15+$0xFFFFFE40] =	vst v22;
	v22 =	vadd.s32 $0x1388, v25  }
0xa0: {  	v16 =	vadd.s32 $0x1770, v7;
	v13 =	vadd.s32 $0x1770, v4;
	v10 =	vadd.s32 $0x1770, v8;
	v56 =	vld.idx.msk [tilespmem:v11+s18+$0x0], $0xffff;
	[tilespmem:s15+$0xFFFFFE50] =	vst v42  }
0xa1: {  	v6 =	vadd.s32 $0x1B58, v6;
	v11 =	vadd.s32 $0x1770, v25;
	v42 =	vld.idx.msk [tilespmem:v14+s18+$0x0], $0xffff;
	v14 =	vadd.s32 $0x1770, v5;
	[tilespmem:s15+$0xFFFFFE60] =	vst v47  }
0xa2: {  	v9 =	vadd.s32 $0x1B58, v9;
	v7 =	vadd.s32 $0x1B58, v7;
	v4 =	vadd.s32 $0x1B58, v4;
	v32 =	vld.idx.msk [tilespmem:v32+s18+$0x0], $0xffff;
	[tilespmem:s15+$0xFFFFFEF0] =	vst v50  }
0xa3: {  	v3 =	vadd.s32 $0x1B58, v25;
	v8 =	vadd.s32 $0x1B58, v8;
	v5 =	vadd.s32 $0x1B58, v5;
	[tilespmem:s15+$0xFFFFFE00] =	vst v51;
	v25 =	vld.idx.msk [tilespmem:v54+s18+$0x0], $0xffff  }
0xa4: {  	v37 =	vld.idx.msk [tilespmem:v37+s18+$0x0], $0xffff;
	[tilespmem:s15+$0xFFFFFE90] =	vst v53  }
0xa5: {  	v47 =	vadd.s32 $0xBB8, v2;
	[tilespmem:s15+$0xFFFFFEA0] =	vst v55;
	v35 =	vld.idx.msk [tilespmem:v35+s18+$0x0], $0xffff  }
0xa6: {  	v23 =	vld.idx.msk [tilespmem:v23+s18+$0x0], $0xffff;
	[tilespmem:s15+$0xFFFFFEB0] =	vst v56  }
0xa7: {  	v26 =	vld.idx.msk [tilespmem:v26+s18+$0x0], $0xffff;
	[tilespmem:s15+$0xFFFFFEC0] =	vst v42  }
0xa8: {  	v28 =	vld.idx.msk [tilespmem:v28+s18+$0x0], $0xffff;
	[tilespmem:s15+$0xFFFFFED0] =	vst v32  }
0xa9: {  	v30 =	vld.idx.msk [tilespmem:v30+s18+$0x0], $0xffff;
	[tilespmem:s15+$0xFFFFFF70] =	vst v25  }
0xaa: {  	[tilespmem:s15+$0xFFFFFE80] =	vst v37;
	v25 =	vld.idx.msk [tilespmem:v47+s18+$0x0], $0xffff  }
0xab: {  	v32 =	vld.idx.msk [tilespmem:v38+s18+$0x0], $0xffff;
	[tilespmem:s15+$0xFFFFFEE0] =	vst v35  }
0xac: {  	[tilespmem:s15+$0xFFFFFF10] =	vst v23;
	v23 =	vld.idx.msk [tilespmem:v33+s18+$0x0], $0xffff;
	v33 =	vadd.s32 $0xFA0, v2  }
0xad: {  	[tilespmem:s15+$0xFFFFFF20] =	vst v26;
	v26 =	vld.idx.msk [tilespmem:v36+s18+$0x0], $0xffff  }
0xae: {  	v24 =	vld.idx.msk [tilespmem:v24+s18+$0x0], $0xffff;
	[tilespmem:s15+$0xFFFFFF30] =	vst v28  }
0xaf: {  	v27 =	vld.idx.msk [tilespmem:v27+s18+$0x0], $0xffff;
	[tilespmem:s15+$0xFFFFFF40] =	vst v30  }
0xb0: {  	v28 =	vld.idx.msk [tilespmem:v29+s18+$0x0], $0xffff;
	[tilespmem:s15+$0xFFFFFFF0] =	vst v25  }
0xb1: {  	[tilespmem:s15+$0xFFFFFF00] =	vst v32;
	v25 =	vld.idx.msk [tilespmem:v33+s18+$0x0], $0xffff  }
0xb2: {  	v29 =	vld.idx.msk [tilespmem:v39+s18+$0x0], $0xffff;
	[tilespmem:s15+$0xFFFFFF50] =	vst v23  }
0xb3: {  	v23 =	vld.idx.msk [tilespmem:v31+s18+$0x0], $0xffff;
	[tilespmem:s15+$0xFFFFFF60] =	vst v26;
	v26 =	vadd.s32 $0x1388, v2  }
0xb4: {  	[tilespmem:s15+$0xFFFFFF90] =	vst v24;
	v24 =	vld.idx.msk [tilespmem:v34+s18+$0x0], $0xffff  }
0xb5: {  	[tilespmem:s15+$0xFFFFFFA0] =	vst v27;
	v27 =	vld.idx.msk [tilespmem:v43+s18+$0x0], $0xffff  }
0xb6: {  	v30 =	vld.idx.msk [tilespmem:v41+s18+$0x0], $0xffff;
	[tilespmem:s15+$0xFFFFFFB0] =	vst v28  }
0xb7: {  	v28 =	vld.idx.msk [tilespmem:v44+s18+$0x0], $0xffff;
	[tilespmem:s15+$0x70] =	vst v25  }
0xb8: {  	[tilespmem:s15+$0xFFFFFF80] =	vst v29;
	v25 =	vld.idx.msk [tilespmem:v26+s18+$0x0], $0xffff  }
0xb9: {  	v26 =	vld.idx.msk [tilespmem:v40+s18+$0x0], $0xffff;
	[tilespmem:s15+$0xFFFFFFC0] =	vst v23  }
0xba: {  	v23 =	vld.idx.msk [tilespmem:v45+s18+$0x0], $0xffff;
	[tilespmem:s15+$0xFFFFFFD0] =	vst v24;
	v24 =	vadd.s32 $0x1770, v2  }
0xbb: {  	v29 =	vld.idx.msk [tilespmem:v46+s18+$0x0], $0xffff;
	[tilespmem:s15+$0xFFFFFFE0] =	vst v27  }
0xbc: {  	[tilespmem:s15+$0x10] =	vst v30;
	v27 =	vld.idx.msk [tilespmem:v48+s18+$0x0], $0xffff  }
0xbd: {  	[tilespmem:s15+$0x20] =	vst v28;
	v28 =	vld.idx.msk [tilespmem:v49+s18+$0x0], $0xffff  }
0xbe: {  	v30 =	vld.idx.msk [tilespmem:v52+s18+$0x0], $0xffff;
	[tilespmem:s15+$0xF0] =	vst v25  }
0xbf: {  	[tilespmem:s15+$0x0] =	vst v26;
	v24 =	vld.idx.msk [tilespmem:v24+s18+$0x0], $0xffff  }
0xc0: {  	v17 =	vld.idx.msk [tilespmem:v17+s18+$0x0], $0xffff;
	[tilespmem:s15+$0x30] =	vst v23  }
0xc1: {  	v2 =	vadd.s32 $0x1B58, v2;
	v21 =	vld.idx.msk [tilespmem:v21+s18+$0x0], $0xffff;
	[tilespmem:s15+$0x40] =	vst v29  }
0xc2: {  	v19 =	vld.idx.msk [tilespmem:v19+s18+$0x0], $0xffff;
	[tilespmem:s15+$0x50] =	vst v27  }
0xc3: {  	v20 =	vld.idx.msk [tilespmem:v20+s18+$0x0], $0xffff;
	[tilespmem:s15+$0x60] =	vst v28  }
0xc4: {  	[tilespmem:s15+$0x90] =	vst v30;
	v18 =	vld.idx.msk [tilespmem:v18+s18+$0x0], $0xffff  }
0xc5: {  	v22 =	vld.idx.msk [tilespmem:v22+s18+$0x0], $0xffff;
	[tilespmem:s15+$0x170] =	vst v24  }
0xc6: {  	[tilespmem:s15+$0x80] =	vst v17;
	v2 =	vld.idx.msk [tilespmem:v2+s18+$0x0], $0xffff  }
0xc7: {  	v15 =	vld.idx.msk [tilespmem:v15+s18+$0x0], $0xffff;
	[tilespmem:s15+$0xA0] =	vst v21  }
0xc8: {  	v12 =	vld.idx.msk [tilespmem:v12+s18+$0x0], $0xffff;
	[tilespmem:s15+$0xB0] =	vst v19  }
0xc9: {  	v16 =	vld.idx.msk [tilespmem:v16+s18+$0x0], $0xffff;
	[tilespmem:s15+$0xC0] =	vst v20  }
0xca: {  	v13 =	vld.idx.msk [tilespmem:v13+s18+$0x0], $0xffff;
	[tilespmem:s15+$0xD0] =	vst v18  }
0xcb: {  	v10 =	vld.idx.msk [tilespmem:v10+s18+$0x0], $0xffff;
	[tilespmem:s15+$0xE0] =	vst v22  }
0xcc: {  	v14 =	vld.idx.msk [tilespmem:v14+s18+$0x0], $0xffff;
	[tilespmem:s15+$0x1F0] =	vst v2  }
0xcd: {  	[tilespmem:s15+$0x100] =	vst v15;
	v2 =	vld.idx.msk [tilespmem:v11+s18+$0x0], $0xffff  }
0xce: {  	v11 =	vld.idx.msk [tilespmem:v6+s18+$0x0], $0xffff;
	[tilespmem:s15+$0x110] =	vst v12  }
0xcf: {  	v6 =	vld.idx.msk [tilespmem:v9+s18+$0x0], $0xffff;
	[tilespmem:s15+$0x120] =	vst v16  }
.Ltmp0:
0xd0: {  	v7 =	vld.idx.msk [tilespmem:v7+s18+$0x0], $0xffff;
	[tilespmem:s15+$0x130] =	vst v13;
	(pc) =	sbr.rel @p2 .LBB2_3-.Ltmp0, $4  }
0xd1: {  	v4 =	vld.idx.msk [tilespmem:v4+s18+$0x0], $0xffff;
	[tilespmem:s15+$0x140] =	vst v10  }
0xd2: {  	v8 =	vld.idx.msk [tilespmem:v8+s18+$0x0], $0xffff;
	[tilespmem:s15+$0x150] =	vst v14  }
0xd3: {  	v5 =	vld.idx.msk [tilespmem:v5+s18+$0x0], $0xffff;
	[tilespmem:s15+$0x160] =	vst v2  }
0xd4: {  	s6 =	sadd.s32 $0x80, s6;
	[tilespmem:s15+$0x180] =	vst v11;
	v3 =	vld.idx.msk [tilespmem:v3+s18+$0x0], $0xffff  }
0xd5: {  	[tilespmem:s15+$0x190] =	vst v6  }
0xd6: {  	[tilespmem:s15+$0x1A0] =	vst v7;
	s6 =	smul.u32 $0xC8000, s0  }
0xd7: {  	[tilespmem:s15+$0x1B0] =	vst v4  }
0xd8: {  	[tilespmem:s15+$0x1C0] =	vst v8;
	s6 =	sadd.s32 s10, s6  }
0xd9: {  	[tilespmem:s15+$0x1D0] =	vst v5;
	s6 =	sshrl.u32 s6, $0x3  }
0xda: {  	[tilespmem:s15+$0x1E0] =	vst v3;
	s6 =	sadd.s32 s2, s6  }
0xdb: {  	[hbm4b:s6+s3] =	stream.linear.scatter [tilespmem:s24], [sflag:$0x3], $0x3400, $0x38;
	[tilespmem:$0x12B80] =	vst v63  }
0xdc: {  	s6 =	sadd.s32 $0x2, s16  }
0xdd: {  	_ =	swait.ge [sflag:s25], $0x1F40;
	s16 =	smul.u32 $0x3E8, s6  }
0xde: {  	[sflag:s25] =	ssyncset.done $0x0  }
0xdf: {  	[sflag:s25] =	ssyncadd.s32 $0xFFFFE0C0;
	s15 =	sadd.s32 s4, s16  }
0xe0: {  	[tilespmem:s18], [sflag:$0x1] =	stream.linear.gather [hbm4b:s15+s3], $0x1F40, $0x38;
	[tilespmem:$0x12B80] =	vst v63  }
0xe1: {  	s15 =	simm.s32 @!p1 $0x4  }
0xe2: {  	p2 =	sgt.u32 @!p1 s0, $0x30;
	_ =	swait.ge @!p1 [sflag:s15], $0x3400  }
0xe3: {  	p2 =	por p1, !p2;
	[sflag:s15] =	ssyncset.done @!p1 $0x0  }
0xe4: {  	s6 =	sshll.u32 @p2 s6, $0x7;
	[sflag:s15] =	ssyncadd.s32 @!p1 $0xFFFFCC00  }
0xe5: {  	v2 =	vld @p2 [tilespmem:s6+$0x800]  }
0xe6: {  	v3 =	vld @p2 [tilespmem:s6+$0x3C00];
	_ =	sdelay $0x4  }
0xe7: {  	v2 =	vshll.u32 @p2 v2, $0x3;
	v3 =	vshrl.u32 @p2 v3, $0x7  }
0xe8: {  	v2 =	vadd.s32 @p2 v2, v3;
	_ =	sdelay $0x3  }
0xe9: {  	s6 =	simm.s32 @p0 $0x6  }
0xea: {  	[tilespmem:s19], [sflag:$0x5] =	stream.indirect_vreg.gather @p2 [hbm4b:s5+s3], $0x80, v2, vm0, $0xb8;
	[tilespmem:$0x12B80] =	vst v63  }
0xeb: {  	_ =	swait.ge @p0 [sflag:s6], $0x800  }
0xec: {  	[sflag:s6] =	ssyncset.done @p0 $0x0  }
0xed: {  	[sflag:s6] =	ssyncadd.s32 @p0 $0xFFFFF800;
	s6 =	sshll.u32 @p0 s1, $0x7  }
0xee: {  	v2 =	vld @p0 [tilespmem:s6+$0x3C00];
	_ =	sdelay $0x2  }
0xef: {  	v3 =	vlaneseq.u32 @p0  }
0xf0: {  	v3 =	vmul.u32 @p0 $0x80, v3;
	v4 =	vld @p0 [tilespmem:s6+$0x800]  }
0xf1: {  	v2 =	vand.u32 @p0 $0x7F, v2  }
0xf2: {  	v2 =	vor.u32 @p0 v3, v2;
	_ =	sdelay $0x3  }
0xf3: {  	s6 =	simm.s32 @p0 $0x12300  }
0xf4: {  	v2 =	vld.idx.msk @p0 [tilespmem:v2+s6+$0x0], $0xffff;
	s6 =	simm.s32 @p0 $0x7000  }
0xf5: {  	v3 =	vld.idx.msk @p0 [tilespmem:v4+s6+$0x0], $0xffff;
	_ =	sdelay $0x1  }
0xf6: {  	v4 =	vld @p0 [tilespmem:$0x12B00];
	_ =	sdelay $0x2  }
0xf7: {  	v2 =	vsub.f32 @p0 v3, v2;
	_ =	sdelay $0x1  }
0xf8: {  	v2 =	vadd.f32 @p0 v2, v4;
	_ =	sdelay $0x1  }
0xf9: {  	s30 =	simm.s32 $0x40;
	[tilespmem:$0x12B00] =	vst @p0 v2  }
0xfa: {  	v9 =	vld [tilespmem:s30+$0x30]  }
0xfb: {  	v7 =	vld [tilespmem:s30+$0xFFFFFFD0]  }
0xfc: {  	v6 =	vld [tilespmem:s30+$0xFFFFFFE0]  }
0xfd: {  	v5 =	vld [tilespmem:s30+$0xFFFFFFF0]  }
0xfe: {  	v4 =	vld [tilespmem:s30+$0x0]  }
0xff: {  	v3 =	vld [tilespmem:s30+$0x10]  }
0x100: {  	v2 =	vld [tilespmem:s30+$0x20]  }
0x101: {  	v8 =	vld [tilespmem:s30+$0xFFFFFFC0]  }
0x102: {  	v10 =	vld.idx.msk [tilespmem:v9+s21+$0x0], $0xffff  }
0x103: {  	v11 =	vld.idx.msk [tilespmem:v7+s21+$0x0], $0xffff  }
0x104: {  	v12 =	vld.idx.msk [tilespmem:v6+s21+$0x0], $0xffff  }
0x105: {  	v13 =	vadd.s32 $0x3E8, v9;
	v14 =	vld.idx.msk [tilespmem:v5+s21+$0x0], $0xffff  }
0x106: {  	v15 =	vadd.s32 $0x3E8, v7;
	v16 =	vld.idx.msk [tilespmem:v4+s21+$0x0], $0xffff  }
0x107: {  	s15 =	simm.s32 $0xEAF0;
	v17 =	vadd.s32 $0x3E8, v6;
	v18 =	vld.idx.msk [tilespmem:v3+s21+$0x0], $0xffff  }
0x108: {  	v19 =	vadd.s32 $0x3E8, v5;
	v20 =	vld.idx.msk [tilespmem:v2+s21+$0x0], $0xffff;
	[tilespmem:s15+$0xFFFFFC80] =	vst v10  }
0x109: {  	v56 =	vadd.s32 $0x3E8, v3;
	v21 =	vld.idx.msk [tilespmem:v8+s21+$0x0], $0xffff;
	[tilespmem:s15+$0xFFFFFC20] =	vst v11  }
0x10a: {  	v59 =	vadd.s32 $0x3E8, v8;
	[tilespmem:s15+$0xFFFFFC30] =	vst v12;
	v11 =	vld.idx.msk [tilespmem:v13+s21+$0x0], $0xffff  }
0x10b: {  	v60 =	vadd.s32 $0x3E8, v2;
	[tilespmem:s15+$0xFFFFFC40] =	vst v14;
	v57 =	vld.idx.msk [tilespmem:v15+s21+$0x0], $0xffff  }
0x10c: {  	v10 =	vadd.s32 $0x3E8, v4;
	[tilespmem:s15+$0xFFFFFC50] =	vst v16;
	v17 =	vld.idx.msk [tilespmem:v17+s21+$0x0], $0xffff  }
0x10d: {  	v58 =	vadd.s32 $0x7D0, v9;
	[tilespmem:s15+$0xFFFFFC60] =	vst v18;
	v19 =	vld.idx.msk [tilespmem:v19+s21+$0x0], $0xffff  }
0x10e: {  	v61 =	vadd.s32 $0x7D0, v7;
	[tilespmem:s15+$0xFFFFFC10] =	vst v21;
	v13 =	vld.idx.msk [tilespmem:v56+s21+$0x0], $0xffff  }
0x10f: {  	v62 =	vadd.s32 $0x7D0, v6;
	[tilespmem:s15+$0xFFFFFC70] =	vst v20;
	v15 =	vld.idx.msk [tilespmem:v59+s21+$0x0], $0xffff  }
0x110: {  	v26 =	vadd.s32 $0x7D0, v8;
	v24 =	vld.idx.msk [tilespmem:v60+s21+$0x0], $0xffff;
	[tilespmem:s15+$0xFFFFFD00] =	vst v11  }
0x111: {  	v27 =	vadd.s32 $0x7D0, v3;
	v10 =	vld.idx.msk [tilespmem:v10+s21+$0x0], $0xffff;
	[tilespmem:s15+$0xFFFFFCA0] =	vst v57  }
0x112: {  	v11 =	vadd.s32 $0x7D0, v5;
	[tilespmem:s15+$0xFFFFFCB0] =	vst v17;
	v14 =	vld.idx.msk [tilespmem:v58+s21+$0x0], $0xffff  }
0x113: {  	v63 =	vadd.s32 $0x7D0, v4;
	[tilespmem:s15+$0xFFFFFCC0] =	vst v19;
	v18 =	vld.idx.msk [tilespmem:v61+s21+$0x0], $0xffff  }
0x114: {  	v25 =	vadd.s32 $0xBB8, v9;
	[tilespmem:s15+$0xFFFFFC90] =	vst v15;
	v20 =	vld.idx.msk [tilespmem:v62+s21+$0x0], $0xffff  }
0x115: {  	v28 =	vadd.s32 $0xBB8, v7;
	[tilespmem:s15+$0xFFFFFCE0] =	vst v13;
	v17 =	vld.idx.msk [tilespmem:v26+s21+$0x0], $0xffff  }
0x116: {  	v29 =	vadd.s32 $0xBB8, v6;
	[tilespmem:s15+$0xFFFFFCF0] =	vst v24;
	v32 =	vld.idx.msk [tilespmem:v27+s21+$0x0], $0xffff  }
0x117: {  	v34 =	vadd.s32 $0xBB8, v8;
	[tilespmem:s15+$0xFFFFFCD0] =	vst v10;
	v11 =	vld.idx.msk [tilespmem:v11+s21+$0x0], $0xffff  }
0x118: {  	v10 =	vadd.s32 $0x7D0, v2;
	v21 =	vld.idx.msk [tilespmem:v63+s21+$0x0], $0xffff;
	[tilespmem:s15+$0xFFFFFD80] =	vst v14  }
0x119: {  	v31 =	vadd.s32 $0xBB8, v5;
	[tilespmem:s15+$0xFFFFFD20] =	vst v18;
	v30 =	vld.idx.msk [tilespmem:v25+s21+$0x0], $0xffff  }
0x11a: {  	v35 =	vadd.s32 $0xBB8, v4;
	[tilespmem:s15+$0xFFFFFD30] =	vst v20;
	v13 =	vld.idx.msk [tilespmem:v28+s21+$0x0], $0xffff  }
0x11b: {  	v33 =	vadd.s32 $0xFA0, v9;
	[tilespmem:s15+$0xFFFFFD10] =	vst v17;
	v14 =	vld.idx.msk [tilespmem:v29+s21+$0x0], $0xffff  }
0x11c: {  	v37 =	vadd.s32 $0xFA0, v7;
	[tilespmem:s15+$0xFFFFFD60] =	vst v32;
	v19 =	vld.idx.msk [tilespmem:v34+s21+$0x0], $0xffff  }
0x11d: {  	v39 =	vadd.s32 $0xFA0, v6;
	v10 =	vld.idx.msk [tilespmem:v10+s21+$0x0], $0xffff;
	[tilespmem:s15+$0xFFFFFD40] =	vst v11  }
0x11e: {  	v41 =	vadd.s32 $0xFA0, v8;
	[tilespmem:s15+$0xFFFFFD50] =	vst v21;
	v16 =	vld.idx.msk [tilespmem:v31+s21+$0x0], $0xffff  }
0x11f: {  	v11 =	vadd.s32 $0xBB8, v3;
	v40 =	vld.idx.msk [tilespmem:v35+s21+$0x0], $0xffff;
	[tilespmem:s15+$0xFFFFFE00] =	vst v30  }
0x120: {  	v36 =	vadd.s32 $0xBB8, v2;
	[tilespmem:s15+$0xFFFFFDA0] =	vst v13;
	v38 =	vld.idx.msk [tilespmem:v33+s21+$0x0], $0xffff  }
0x121: {  	v42 =	vadd.s32 $0xFA0, v5;
	[tilespmem:s15+$0xFFFFFDB0] =	vst v14;
	v15 =	vld.idx.msk [tilespmem:v37+s21+$0x0], $0xffff  }
0x122: {  	v44 =	vadd.s32 $0xFA0, v4;
	[tilespmem:s15+$0xFFFFFD90] =	vst v19;
	v18 =	vld.idx.msk [tilespmem:v39+s21+$0x0], $0xffff  }
0x123: {  	v20 =	vld.idx.msk [tilespmem:v41+s21+$0x0], $0xffff;
	[tilespmem:s15+$0xFFFFFD70] =	vst v10;
	v10 =	vadd.s32 $0x1388, v9  }
0x124: {  	v47 =	vadd.s32 $0x1388, v7;
	v11 =	vld.idx.msk [tilespmem:v11+s21+$0x0], $0xffff;
	[tilespmem:s15+$0xFFFFFDC0] =	vst v16  }
0x125: {  	v49 =	vadd.s32 $0x1388, v8;
	v43 =	vld.idx.msk [tilespmem:v36+s21+$0x0], $0xffff;
	[tilespmem:s15+$0xFFFFFDD0] =	vst v40  }
0x126: {  	v50 =	vadd.s32 $0x1388, v6;
	v48 =	vld.idx.msk [tilespmem:v42+s21+$0x0], $0xffff;
	[tilespmem:s15+$0xFFFFFE80] =	vst v38  }
0x127: {  	v45 =	vadd.s32 $0xFA0, v3;
	v21 =	vld.idx.msk [tilespmem:v44+s21+$0x0], $0xffff;
	[tilespmem:s15+$0xFFFFFE20] =	vst v15  }
0x128: {  	v46 =	vadd.s32 $0xFA0, v2;
	[tilespmem:s15+$0xFFFFFE30] =	vst v18;
	v10 =	vld.idx.msk [tilespmem:v10+s21+$0x0], $0xffff  }
0x129: {  	v52 =	vadd.s32 $0x1388, v5;
	[tilespmem:s15+$0xFFFFFE10] =	vst v20;
	v19 =	vld.idx.msk [tilespmem:v47+s21+$0x0], $0xffff  }
0x12a: {  	v13 =	vld.idx.msk [tilespmem:v49+s21+$0x0], $0xffff;
	[tilespmem:s15+$0xFFFFFDE0] =	vst v11;
	v11 =	vadd.s32 $0x1770, v9  }
0x12b: {  	v53 =	vadd.s32 $0x1388, v4;
	v55 =	vld.idx.msk [tilespmem:v50+s21+$0x0], $0xffff;
	[tilespmem:s15+$0xFFFFFDF0] =	vst v43  }
0x12c: {  	v56 =	vadd.s32 $0x1770, v8;
	v51 =	vld.idx.msk [tilespmem:v45+s21+$0x0], $0xffff;
	[tilespmem:s15+$0xFFFFFE40] =	vst v48  }
0x12d: {  	v57 =	vadd.s32 $0x1770, v7;
	v17 =	vld.idx.msk [tilespmem:v46+s21+$0x0], $0xffff;
	[tilespmem:s15+$0xFFFFFE50] =	vst v21  }
0x12e: {  	v54 =	vadd.s32 $0x1388, v2;
	v16 =	vld.idx.msk [tilespmem:v52+s21+$0x0], $0xffff;
	[tilespmem:s15+$0xFFFFFF00] =	vst v10  }
0x12f: {  	v10 =	vadd.s32 $0x1388, v3;
	[tilespmem:s15+$0xFFFFFEA0] =	vst v19;
	v11 =	vld.idx.msk [tilespmem:v11+s21+$0x0], $0xffff  }
0x130: {  	v9 =	vadd.s32 $0x1B58, v9;
	v18 =	vld.idx.msk [tilespmem:v53+s21+$0x0], $0xffff;
	[tilespmem:s15+$0xFFFFFE90] =	vst v13  }
0x131: {  	v58 =	vadd.s32 $0x1770, v6;
	[tilespmem:s15+$0xFFFFFEB0] =	vst v55;
	v14 =	vld.idx.msk [tilespmem:v56+s21+$0x0], $0xffff  }
0x132: {  	v59 =	vadd.s32 $0x1770, v5;
	v15 =	vld.idx.msk [tilespmem:v57+s21+$0x0], $0xffff;
	[tilespmem:s15+$0xFFFFFE70] =	vst v17  }
0x133: {  	v8 =	vadd.s32 $0x1B58, v8;
	[tilespmem:s15+$0xFFFFFE60] =	vst v51;
	v20 =	vld.idx.msk [tilespmem:v54+s21+$0x0], $0xffff  }
0x134: {  	v10 =	vld.idx.msk [tilespmem:v10+s21+$0x0], $0xffff;
	[tilespmem:s15+$0xFFFFFF80] =	vst v11;
	v11 =	vadd.s32 $0x1770, v4  }
0x135: {  	v60 =	vadd.s32 $0x1770, v3;
	[tilespmem:s15+$0xFFFFFEC0] =	vst v16;
	v9 =	vld.idx.msk [tilespmem:v9+s21+$0x0], $0xffff  }
0x136: {  	v61 =	vadd.s32 $0x1770, v2;
	v62 =	vld.idx.msk [tilespmem:v58+s21+$0x0], $0xffff;
	[tilespmem:s15+$0xFFFFFED0] =	vst v18  }
0x137: {  	v7 =	vadd.s32 $0x1B58, v7;
	v63 =	vld.idx.msk [tilespmem:v59+s21+$0x0], $0xffff;
	[tilespmem:s15+$0xFFFFFF10] =	vst v14  }
0x138: {  	v5 =	vadd.s32 $0x1B58, v5;
	v14 =	vld.idx.msk [tilespmem:v8+s21+$0x0], $0xffff;
	[tilespmem:s15+$0xFFFFFEF0] =	vst v20  }
0x139: {  	[tilespmem:s15+$0xFFFFFEE0] =	vst v10;
	v10 =	vadd.s32 $0x1B58, v6;
	v11 =	vld.idx.msk [tilespmem:v11+s21+$0x0], $0xffff  }
0x13a: {  	v13 =	vld.idx.msk [tilespmem:v60+s21+$0x0], $0xffff;
	[tilespmem:s15+$0x0] =	vst v9;
	v9 =	vadd.s32 $0x1B58, v4  }
0x13b: {  	v3 =	vadd.s32 $0x1B58, v3;
	[tilespmem:s15+$0xFFFFFF20] =	vst v15;
	v12 =	vld.idx.msk [tilespmem:v61+s21+$0x0], $0xffff  }
0x13c: {  	v2 =	vadd.s32 $0x1B58, v2;
	v6 =	vld.idx.msk [tilespmem:v7+s21+$0x0], $0xffff;
	[tilespmem:s15+$0xFFFFFF40] =	vst v63  }
0x13d: {  	[tilespmem:s15+$0xFFFFFF30] =	vst v62;
	v4 =	vld.idx.msk [tilespmem:v5+s21+$0x0], $0xffff  }
0x13e: {  	v7 =	vld.idx.msk [tilespmem:v10+s21+$0x0], $0xffff;
	[tilespmem:s15+$0xFFFFFF50] =	vst v11  }
0x13f: {  	[tilespmem:s15+$0xFFFFFF60] =	vst v13;
	v8 =	vld.idx.msk [tilespmem:v9+s21+$0x0], $0xffff  }
0x140: {  	[tilespmem:s15+$0xFFFFFF70] =	vst v12;
	v5 =	vld.idx.msk [tilespmem:v3+s21+$0x0], $0xffff  }
0x141: {  	s16 =	simm.s32 $0x0;
	s6 =	simm.s32 $0xC0;
	[tilespmem:s15+$0xFFFFFF90] =	vst v14;
	v3 =	vld.idx.msk [tilespmem:v2+s21+$0x0], $0xffff  }
.LBB2_5:
0x142: {  	v2 =	vld [tilespmem:s6+$0x30];
	s16 =	sadd.s32 $0x8, s16;
	[tilespmem:s15+$0xFFFFFFA0] =	vst v6  }
0x143: {  	v9 =	vld [tilespmem:s6+$0xFFFFFFD0];
	p0 =	slt.u32 s16, $0x60;
	[tilespmem:s15+$0xFFFFFFB0] =	vst v7  }
0x144: {  	v7 =	vld [tilespmem:s6+$0xFFFFFFE0];
	[tilespmem:s15+$0xFFFFFFC0] =	vst v4  }
0x145: {  	v4 =	vld [tilespmem:s6+$0xFFFFFFF0];
	[tilespmem:s15+$0xFFFFFFD0] =	vst v8  }
0x146: {  	v8 =	vld [tilespmem:s6+$0x0];
	[tilespmem:s15+$0xFFFFFFE0] =	vst v5  }
0x147: {  	v5 =	vld [tilespmem:s6+$0x10];
	[tilespmem:s15+$0xFFFFFFF0] =	vst v3  }
0x148: {  	v3 =	vadd.s32 $0x3E8, v9;
	v23 =	vadd.s32 $0x7D0, v9;
	v24 =	vadd.s32 $0xBB8, v9;
	v25 =	vld [tilespmem:s6+$0x20]  }
0x149: {  	v6 =	vld [tilespmem:s6+$0xFFFFFFC0];
	v10 =	vadd.s32 $0x3E8, v7;
	v26 =	vadd.s32 $0x7D0, v7;
	v27 =	vadd.s32 $0xBB8, v7  }
0x14a: {  	v11 =	vadd.s32 $0x3E8, v4;
	v28 =	vadd.s32 $0x7D0, v4;
	v29 =	vadd.s32 $0xBB8, v4;
	v12 =	vld.idx.msk [tilespmem:v2+s21+$0x0], $0xffff  }
0x14b: {  	v13 =	vld.idx.msk [tilespmem:v9+s21+$0x0], $0xffff;
	v14 =	vadd.s32 $0x3E8, v8;
	v30 =	vadd.s32 $0x7D0, v8;
	v31 =	vadd.s32 $0xBB8, v8  }
0x14c: {  	v16 =	vadd.s32 $0x3E8, v2;
	v15 =	vld.idx.msk [tilespmem:v7+s21+$0x0], $0xffff;
	v32 =	vadd.s32 $0x3E8, v5;
	v33 =	vadd.s32 $0x7D0, v5  }
0x14d: {  	v34 =	vadd.s32 $0xBB8, v5;
	v18 =	vld.idx.msk [tilespmem:v4+s21+$0x0], $0xffff;
	v35 =	vadd.s32 $0x3E8, v25;
	v36 =	vadd.s32 $0x7D0, v25  }
0x14e: {  	v37 =	vadd.s32 $0x3E8, v6;
	v38 =	vadd.s32 $0x7D0, v6;
	v39 =	vadd.s32 $0xBB8, v6;
	v22 =	vld.idx.msk [tilespmem:v8+s21+$0x0], $0xffff  }
0x14f: {  	s15 =	sadd.s32 $0x400, s15;
	v41 =	vadd.s32 $0xFA0, v9;
	v43 =	vadd.s32 $0xBB8, v25;
	v40 =	vadd.s32 $0xFA0, v6;
	v42 =	vld.idx.msk [tilespmem:v5+s21+$0x0], $0xffff  }
0x150: {  	v44 =	vadd.s32 $0xFA0, v7;
	v45 =	vadd.s32 $0xFA0, v4;
	v46 =	vadd.s32 $0xFA0, v8;
	v47 =	vld.idx.msk [tilespmem:v25+s21+$0x0], $0xffff;
	[tilespmem:s15+$0xFFFFFC80] =	vst v12  }
0x151: {  	v48 =	vadd.s32 $0xFA0, v5;
	v49 =	vadd.s32 $0xFA0, v25;
	v17 =	vadd.s32 $0x1388, v6;
	[tilespmem:s15+$0xFFFFFC20] =	vst v13;
	v50 =	vld.idx.msk [tilespmem:v16+s21+$0x0], $0xffff  }
0x152: {  	v52 =	vadd.s32 $0x1388, v9;
	v21 =	vadd.s32 $0x1388, v7;
	v19 =	vadd.s32 $0x1388, v4;
	v51 =	vld.idx.msk [tilespmem:v6+s21+$0x0], $0xffff;
	[tilespmem:s15+$0xFFFFFC30] =	vst v15  }
0x153: {  	v54 =	vadd.s32 $0x7D0, v2;
	v20 =	vadd.s32 $0x1388, v8;
	v53 =	vld.idx.msk [tilespmem:v3+s21+$0x0], $0xffff;
	[tilespmem:s15+$0xFFFFFC40] =	vst v18;
	v18 =	vadd.s32 $0x1388, v5  }
0x154: {  	v12 =	vadd.s32 $0x1770, v9;
	v15 =	vadd.s32 $0x1770, v6;
	v55 =	vld.idx.msk [tilespmem:v10+s21+$0x0], $0xffff;
	[tilespmem:s15+$0xFFFFFC50] =	vst v22;
	v22 =	vadd.s32 $0x1388, v25  }
0x155: {  	v16 =	vadd.s32 $0x1770, v7;
	v13 =	vadd.s32 $0x1770, v4;
	v10 =	vadd.s32 $0x1770, v8;
	v56 =	vld.idx.msk [tilespmem:v11+s21+$0x0], $0xffff;
	[tilespmem:s15+$0xFFFFFC60] =	vst v42  }
0x156: {  	v6 =	vadd.s32 $0x1B58, v6;
	v11 =	vadd.s32 $0x1770, v25;
	v42 =	vld.idx.msk [tilespmem:v14+s21+$0x0], $0xffff;
	v14 =	vadd.s32 $0x1770, v5;
	[tilespmem:s15+$0xFFFFFC70] =	vst v47  }
0x157: {  	v9 =	vadd.s32 $0x1B58, v9;
	v7 =	vadd.s32 $0x1B58, v7;
	v4 =	vadd.s32 $0x1B58, v4;
	v32 =	vld.idx.msk [tilespmem:v32+s21+$0x0], $0xffff;
	[tilespmem:s15+$0xFFFFFD00] =	vst v50  }
0x158: {  	v3 =	vadd.s32 $0x1B58, v25;
	v8 =	vadd.s32 $0x1B58, v8;
	v5 =	vadd.s32 $0x1B58, v5;
	[tilespmem:s15+$0xFFFFFC10] =	vst v51;
	v25 =	vld.idx.msk [tilespmem:v54+s21+$0x0], $0xffff  }
0x159: {  	v37 =	vld.idx.msk [tilespmem:v37+s21+$0x0], $0xffff;
	[tilespmem:s15+$0xFFFFFCA0] =	vst v53  }
0x15a: {  	v47 =	vadd.s32 $0xBB8, v2;
	[tilespmem:s15+$0xFFFFFCB0] =	vst v55;
	v35 =	vld.idx.msk [tilespmem:v35+s21+$0x0], $0xffff  }
0x15b: {  	v23 =	vld.idx.msk [tilespmem:v23+s21+$0x0], $0xffff;
	[tilespmem:s15+$0xFFFFFCC0] =	vst v56  }
0x15c: {  	v26 =	vld.idx.msk [tilespmem:v26+s21+$0x0], $0xffff;
	[tilespmem:s15+$0xFFFFFCD0] =	vst v42  }
0x15d: {  	v28 =	vld.idx.msk [tilespmem:v28+s21+$0x0], $0xffff;
	[tilespmem:s15+$0xFFFFFCE0] =	vst v32  }
0x15e: {  	v30 =	vld.idx.msk [tilespmem:v30+s21+$0x0], $0xffff;
	[tilespmem:s15+$0xFFFFFD80] =	vst v25  }
0x15f: {  	[tilespmem:s15+$0xFFFFFC90] =	vst v37;
	v25 =	vld.idx.msk [tilespmem:v47+s21+$0x0], $0xffff  }
0x160: {  	v32 =	vld.idx.msk [tilespmem:v38+s21+$0x0], $0xffff;
	[tilespmem:s15+$0xFFFFFCF0] =	vst v35  }
0x161: {  	[tilespmem:s15+$0xFFFFFD20] =	vst v23;
	v23 =	vld.idx.msk [tilespmem:v33+s21+$0x0], $0xffff;
	v33 =	vadd.s32 $0xFA0, v2  }
0x162: {  	[tilespmem:s15+$0xFFFFFD30] =	vst v26;
	v26 =	vld.idx.msk [tilespmem:v36+s21+$0x0], $0xffff  }
0x163: {  	v24 =	vld.idx.msk [tilespmem:v24+s21+$0x0], $0xffff;
	[tilespmem:s15+$0xFFFFFD40] =	vst v28  }
0x164: {  	v27 =	vld.idx.msk [tilespmem:v27+s21+$0x0], $0xffff;
	[tilespmem:s15+$0xFFFFFD50] =	vst v30  }
0x165: {  	v28 =	vld.idx.msk [tilespmem:v29+s21+$0x0], $0xffff;
	[tilespmem:s15+$0xFFFFFE00] =	vst v25  }
0x166: {  	[tilespmem:s15+$0xFFFFFD10] =	vst v32;
	v25 =	vld.idx.msk [tilespmem:v33+s21+$0x0], $0xffff  }
0x167: {  	v29 =	vld.idx.msk [tilespmem:v39+s21+$0x0], $0xffff;
	[tilespmem:s15+$0xFFFFFD60] =	vst v23  }
0x168: {  	v23 =	vld.idx.msk [tilespmem:v31+s21+$0x0], $0xffff;
	[tilespmem:s15+$0xFFFFFD70] =	vst v26;
	v26 =	vadd.s32 $0x1388, v2  }
0x169: {  	[tilespmem:s15+$0xFFFFFDA0] =	vst v24;
	v24 =	vld.idx.msk [tilespmem:v34+s21+$0x0], $0xffff  }
0x16a: {  	[tilespmem:s15+$0xFFFFFDB0] =	vst v27;
	v27 =	vld.idx.msk [tilespmem:v43+s21+$0x0], $0xffff  }
0x16b: {  	v30 =	vld.idx.msk [tilespmem:v41+s21+$0x0], $0xffff;
	[tilespmem:s15+$0xFFFFFDC0] =	vst v28  }
0x16c: {  	v28 =	vld.idx.msk [tilespmem:v44+s21+$0x0], $0xffff;
	[tilespmem:s15+$0xFFFFFE80] =	vst v25  }
0x16d: {  	[tilespmem:s15+$0xFFFFFD90] =	vst v29;
	v25 =	vld.idx.msk [tilespmem:v26+s21+$0x0], $0xffff  }
0x16e: {  	v26 =	vld.idx.msk [tilespmem:v40+s21+$0x0], $0xffff;
	[tilespmem:s15+$0xFFFFFDD0] =	vst v23  }
0x16f: {  	v23 =	vld.idx.msk [tilespmem:v45+s21+$0x0], $0xffff;
	[tilespmem:s15+$0xFFFFFDE0] =	vst v24;
	v24 =	vadd.s32 $0x1770, v2  }
0x170: {  	v29 =	vld.idx.msk [tilespmem:v46+s21+$0x0], $0xffff;
	[tilespmem:s15+$0xFFFFFDF0] =	vst v27  }
0x171: {  	[tilespmem:s15+$0xFFFFFE20] =	vst v30;
	v27 =	vld.idx.msk [tilespmem:v48+s21+$0x0], $0xffff  }
0x172: {  	[tilespmem:s15+$0xFFFFFE30] =	vst v28;
	v28 =	vld.idx.msk [tilespmem:v49+s21+$0x0], $0xffff  }
0x173: {  	v30 =	vld.idx.msk [tilespmem:v52+s21+$0x0], $0xffff;
	[tilespmem:s15+$0xFFFFFF00] =	vst v25  }
0x174: {  	[tilespmem:s15+$0xFFFFFE10] =	vst v26;
	v24 =	vld.idx.msk [tilespmem:v24+s21+$0x0], $0xffff  }
0x175: {  	v17 =	vld.idx.msk [tilespmem:v17+s21+$0x0], $0xffff;
	[tilespmem:s15+$0xFFFFFE40] =	vst v23  }
0x176: {  	v2 =	vadd.s32 $0x1B58, v2;
	v21 =	vld.idx.msk [tilespmem:v21+s21+$0x0], $0xffff;
	[tilespmem:s15+$0xFFFFFE50] =	vst v29  }
0x177: {  	v19 =	vld.idx.msk [tilespmem:v19+s21+$0x0], $0xffff;
	[tilespmem:s15+$0xFFFFFE60] =	vst v27  }
0x178: {  	v20 =	vld.idx.msk [tilespmem:v20+s21+$0x0], $0xffff;
	[tilespmem:s15+$0xFFFFFE70] =	vst v28  }
0x179: {  	[tilespmem:s15+$0xFFFFFEA0] =	vst v30;
	v18 =	vld.idx.msk [tilespmem:v18+s21+$0x0], $0xffff  }
0x17a: {  	v22 =	vld.idx.msk [tilespmem:v22+s21+$0x0], $0xffff;
	[tilespmem:s15+$0xFFFFFF80] =	vst v24  }
0x17b: {  	[tilespmem:s15+$0xFFFFFE90] =	vst v17;
	v2 =	vld.idx.msk [tilespmem:v2+s21+$0x0], $0xffff  }
0x17c: {  	v15 =	vld.idx.msk [tilespmem:v15+s21+$0x0], $0xffff;
	[tilespmem:s15+$0xFFFFFEB0] =	vst v21  }
0x17d: {  	v12 =	vld.idx.msk [tilespmem:v12+s21+$0x0], $0xffff;
	[tilespmem:s15+$0xFFFFFEC0] =	vst v19  }
0x17e: {  	v16 =	vld.idx.msk [tilespmem:v16+s21+$0x0], $0xffff;
	[tilespmem:s15+$0xFFFFFED0] =	vst v20  }
0x17f: {  	v13 =	vld.idx.msk [tilespmem:v13+s21+$0x0], $0xffff;
	[tilespmem:s15+$0xFFFFFEE0] =	vst v18  }
0x180: {  	v10 =	vld.idx.msk [tilespmem:v10+s21+$0x0], $0xffff;
	[tilespmem:s15+$0xFFFFFEF0] =	vst v22  }
0x181: {  	v14 =	vld.idx.msk [tilespmem:v14+s21+$0x0], $0xffff;
	[tilespmem:s15+$0x0] =	vst v2  }
0x182: {  	[tilespmem:s15+$0xFFFFFF10] =	vst v15;
	v2 =	vld.idx.msk [tilespmem:v11+s21+$0x0], $0xffff  }
0x183: {  	v11 =	vld.idx.msk [tilespmem:v6+s21+$0x0], $0xffff;
	[tilespmem:s15+$0xFFFFFF20] =	vst v12  }
0x184: {  	v6 =	vld.idx.msk [tilespmem:v9+s21+$0x0], $0xffff;
	[tilespmem:s15+$0xFFFFFF30] =	vst v16  }
.Ltmp1:
0x185: {  	v7 =	vld.idx.msk [tilespmem:v7+s21+$0x0], $0xffff;
	[tilespmem:s15+$0xFFFFFF40] =	vst v13;
	(pc) =	sbr.rel @p0 .LBB2_5-.Ltmp1, $4  }
0x186: {  	v4 =	vld.idx.msk [tilespmem:v4+s21+$0x0], $0xffff;
	[tilespmem:s15+$0xFFFFFF50] =	vst v10  }
0x187: {  	v8 =	vld.idx.msk [tilespmem:v8+s21+$0x0], $0xffff;
	[tilespmem:s15+$0xFFFFFF60] =	vst v14  }
0x188: {  	v5 =	vld.idx.msk [tilespmem:v5+s21+$0x0], $0xffff;
	[tilespmem:s15+$0xFFFFFF70] =	vst v2  }
0x189: {  	s6 =	sadd.s32 $0x80, s6;
	[tilespmem:s15+$0xFFFFFF90] =	vst v11;
	v3 =	vld.idx.msk [tilespmem:v3+s21+$0x0], $0xffff  }
0x18a: {  	[tilespmem:s15+$0xFFFFFFA0] =	vst v6;
	s0 =	sadd.s32 $0x1, s0  }
0x18b: {  	[tilespmem:s15+$0xFFFFFFB0] =	vst v7;
	s1 =	smul.u32 $0x64000, s1;
	p0 =	sne.s32 s0, $0x3E  }
.Ltmp2:
0x18c: {  	[tilespmem:s15+$0xFFFFFFC0] =	vst v4;
	(pc) =	sbr.rel @p0 .LBB2_2-.Ltmp2, $4  }
0x18d: {  	[tilespmem:s15+$0xFFFFFFD0] =	vst v8;
	s1 =	sadd.s32 s10, s1  }
0x18e: {  	[tilespmem:s15+$0xFFFFFFE0] =	vst v5;
	s1 =	sshrl.u32 s1, $0x3  }
0x18f: {  	[tilespmem:s15+$0xFFFFFFF0] =	vst v3;
	s1 =	sadd.s32 s2, s1  }
0x190: {  	[hbm4b:s1+s3] =	stream.linear.scatter [tilespmem:s26], [sflag:$0x4], $0x3400, $0x38;
	[tilespmem:$0x12B80] =	vst v63  }
0x191: {  	_ =	swait.ge [sflag:s20], $0x1F40  }
0x192: {  	[sflag:s20] =	ssyncset.done $0x0  }
0x193: {  	[sflag:s20] =	ssyncadd.s32 $0xFFFFE0C0  }
0x194: {  	_ =	swait.ge [sflag:s28], $0x3400  }
0x195: {  	[sflag:s28] =	ssyncset.done $0x0  }
0x196: {  	s0 =	simm.s32 $0x40;
	[sflag:s28] =	ssyncadd.s32 $0xFFFFCC00  }
0x197: {  	v9 =	vld [tilespmem:s0+$0x30]  }
0x198: {  	v7 =	vld [tilespmem:s0+$0xFFFFFFD0]  }
0x199: {  	v6 =	vld [tilespmem:s0+$0xFFFFFFE0]  }
0x19a: {  	v5 =	vld [tilespmem:s0+$0xFFFFFFF0]  }
0x19b: {  	v4 =	vld [tilespmem:s0+$0x0]  }
0x19c: {  	v3 =	vld [tilespmem:s0+$0x10]  }
0x19d: {  	v2 =	vld [tilespmem:s0+$0x20]  }
0x19e: {  	v8 =	vld [tilespmem:s0+$0xFFFFFFC0]  }
0x19f: {  	v10 =	vld.idx.msk [tilespmem:v9+s18+$0x0], $0xffff  }
0x1a0: {  	v11 =	vld.idx.msk [tilespmem:v7+s18+$0x0], $0xffff  }
0x1a1: {  	v12 =	vld.idx.msk [tilespmem:v6+s18+$0x0], $0xffff  }
0x1a2: {  	v13 =	vadd.s32 $0x3E8, v9;
	v14 =	vld.idx.msk [tilespmem:v5+s18+$0x0], $0xffff  }
0x1a3: {  	v15 =	vadd.s32 $0x3E8, v7;
	v16 =	vld.idx.msk [tilespmem:v4+s18+$0x0], $0xffff  }
0x1a4: {  	s0 =	simm.s32 $0xB500;
	v17 =	vadd.s32 $0x3E8, v6;
	v18 =	vld.idx.msk [tilespmem:v3+s18+$0x0], $0xffff  }
0x1a5: {  	v19 =	vadd.s32 $0x3E8, v5;
	v20 =	vld.idx.msk [tilespmem:v2+s18+$0x0], $0xffff;
	[tilespmem:s0+$0xFFFFFE70] =	vst v10  }
0x1a6: {  	v56 =	vadd.s32 $0x3E8, v3;
	v21 =	vld.idx.msk [tilespmem:v8+s18+$0x0], $0xffff;
	[tilespmem:s0+$0xFFFFFE10] =	vst v11  }
0x1a7: {  	v59 =	vadd.s32 $0x3E8, v8;
	[tilespmem:s0+$0xFFFFFE20] =	vst v12;
	v11 =	vld.idx.msk [tilespmem:v13+s18+$0x0], $0xffff  }
0x1a8: {  	v60 =	vadd.s32 $0x3E8, v2;
	[tilespmem:s0+$0xFFFFFE30] =	vst v14;
	v57 =	vld.idx.msk [tilespmem:v15+s18+$0x0], $0xffff  }
0x1a9: {  	v10 =	vadd.s32 $0x3E8, v4;
	[tilespmem:s0+$0xFFFFFE40] =	vst v16;
	v17 =	vld.idx.msk [tilespmem:v17+s18+$0x0], $0xffff  }
0x1aa: {  	v58 =	vadd.s32 $0x7D0, v9;
	[tilespmem:s0+$0xFFFFFE50] =	vst v18;
	v19 =	vld.idx.msk [tilespmem:v19+s18+$0x0], $0xffff  }
0x1ab: {  	v61 =	vadd.s32 $0x7D0, v7;
	[tilespmem:s0+$0xFFFFFE00] =	vst v21;
	v13 =	vld.idx.msk [tilespmem:v56+s18+$0x0], $0xffff  }
0x1ac: {  	v62 =	vadd.s32 $0x7D0, v6;
	[tilespmem:s0+$0xFFFFFE60] =	vst v20;
	v15 =	vld.idx.msk [tilespmem:v59+s18+$0x0], $0xffff  }
0x1ad: {  	v26 =	vadd.s32 $0x7D0, v8;
	v24 =	vld.idx.msk [tilespmem:v60+s18+$0x0], $0xffff;
	[tilespmem:s0+$0xFFFFFEF0] =	vst v11  }
0x1ae: {  	v27 =	vadd.s32 $0x7D0, v3;
	v10 =	vld.idx.msk [tilespmem:v10+s18+$0x0], $0xffff;
	[tilespmem:s0+$0xFFFFFE90] =	vst v57  }
0x1af: {  	v11 =	vadd.s32 $0x7D0, v5;
	[tilespmem:s0+$0xFFFFFEA0] =	vst v17;
	v14 =	vld.idx.msk [tilespmem:v58+s18+$0x0], $0xffff  }
0x1b0: {  	v63 =	vadd.s32 $0x7D0, v4;
	[tilespmem:s0+$0xFFFFFEB0] =	vst v19;
	v18 =	vld.idx.msk [tilespmem:v61+s18+$0x0], $0xffff  }
0x1b1: {  	v25 =	vadd.s32 $0xBB8, v9;
	[tilespmem:s0+$0xFFFFFE80] =	vst v15;
	v20 =	vld.idx.msk [tilespmem:v62+s18+$0x0], $0xffff  }
0x1b2: {  	v28 =	vadd.s32 $0xBB8, v7;
	[tilespmem:s0+$0xFFFFFED0] =	vst v13;
	v17 =	vld.idx.msk [tilespmem:v26+s18+$0x0], $0xffff  }
0x1b3: {  	v29 =	vadd.s32 $0xBB8, v6;
	[tilespmem:s0+$0xFFFFFEE0] =	vst v24;
	v32 =	vld.idx.msk [tilespmem:v27+s18+$0x0], $0xffff  }
0x1b4: {  	v34 =	vadd.s32 $0xBB8, v8;
	[tilespmem:s0+$0xFFFFFEC0] =	vst v10;
	v11 =	vld.idx.msk [tilespmem:v11+s18+$0x0], $0xffff  }
0x1b5: {  	v10 =	vadd.s32 $0x7D0, v2;
	v21 =	vld.idx.msk [tilespmem:v63+s18+$0x0], $0xffff;
	[tilespmem:s0+$0xFFFFFF70] =	vst v14  }
0x1b6: {  	v31 =	vadd.s32 $0xBB8, v5;
	[tilespmem:s0+$0xFFFFFF10] =	vst v18;
	v30 =	vld.idx.msk [tilespmem:v25+s18+$0x0], $0xffff  }
0x1b7: {  	v35 =	vadd.s32 $0xBB8, v4;
	[tilespmem:s0+$0xFFFFFF20] =	vst v20;
	v13 =	vld.idx.msk [tilespmem:v28+s18+$0x0], $0xffff  }
0x1b8: {  	v33 =	vadd.s32 $0xFA0, v9;
	[tilespmem:s0+$0xFFFFFF00] =	vst v17;
	v14 =	vld.idx.msk [tilespmem:v29+s18+$0x0], $0xffff  }
0x1b9: {  	v37 =	vadd.s32 $0xFA0, v7;
	[tilespmem:s0+$0xFFFFFF50] =	vst v32;
	v19 =	vld.idx.msk [tilespmem:v34+s18+$0x0], $0xffff  }
0x1ba: {  	v39 =	vadd.s32 $0xFA0, v6;
	v10 =	vld.idx.msk [tilespmem:v10+s18+$0x0], $0xffff;
	[tilespmem:s0+$0xFFFFFF30] =	vst v11  }
0x1bb: {  	v41 =	vadd.s32 $0xFA0, v8;
	[tilespmem:s0+$0xFFFFFF40] =	vst v21;
	v16 =	vld.idx.msk [tilespmem:v31+s18+$0x0], $0xffff  }
0x1bc: {  	v11 =	vadd.s32 $0xBB8, v3;
	v40 =	vld.idx.msk [tilespmem:v35+s18+$0x0], $0xffff;
	[tilespmem:s0+$0xFFFFFFF0] =	vst v30  }
0x1bd: {  	v36 =	vadd.s32 $0xBB8, v2;
	[tilespmem:s0+$0xFFFFFF90] =	vst v13;
	v38 =	vld.idx.msk [tilespmem:v33+s18+$0x0], $0xffff  }
0x1be: {  	v42 =	vadd.s32 $0xFA0, v5;
	[tilespmem:s0+$0xFFFFFFA0] =	vst v14;
	v15 =	vld.idx.msk [tilespmem:v37+s18+$0x0], $0xffff  }
0x1bf: {  	v44 =	vadd.s32 $0xFA0, v4;
	[tilespmem:s0+$0xFFFFFF80] =	vst v19;
	v18 =	vld.idx.msk [tilespmem:v39+s18+$0x0], $0xffff  }
0x1c0: {  	v20 =	vld.idx.msk [tilespmem:v41+s18+$0x0], $0xffff;
	[tilespmem:s0+$0xFFFFFF60] =	vst v10;
	v10 =	vadd.s32 $0x1388, v9  }
0x1c1: {  	v47 =	vadd.s32 $0x1388, v7;
	v11 =	vld.idx.msk [tilespmem:v11+s18+$0x0], $0xffff;
	[tilespmem:s0+$0xFFFFFFB0] =	vst v16  }
0x1c2: {  	v49 =	vadd.s32 $0x1388, v8;
	v43 =	vld.idx.msk [tilespmem:v36+s18+$0x0], $0xffff;
	[tilespmem:s0+$0xFFFFFFC0] =	vst v40  }
0x1c3: {  	v50 =	vadd.s32 $0x1388, v6;
	v48 =	vld.idx.msk [tilespmem:v42+s18+$0x0], $0xffff;
	[tilespmem:s0+$0x70] =	vst v38  }
0x1c4: {  	v45 =	vadd.s32 $0xFA0, v3;
	v21 =	vld.idx.msk [tilespmem:v44+s18+$0x0], $0xffff;
	[tilespmem:s0+$0x10] =	vst v15  }
0x1c5: {  	v46 =	vadd.s32 $0xFA0, v2;
	[tilespmem:s0+$0x20] =	vst v18;
	v10 =	vld.idx.msk [tilespmem:v10+s18+$0x0], $0xffff  }
0x1c6: {  	v52 =	vadd.s32 $0x1388, v5;
	[tilespmem:s0+$0x0] =	vst v20;
	v19 =	vld.idx.msk [tilespmem:v47+s18+$0x0], $0xffff  }
0x1c7: {  	v13 =	vld.idx.msk [tilespmem:v49+s18+$0x0], $0xffff;
	[tilespmem:s0+$0xFFFFFFD0] =	vst v11;
	v11 =	vadd.s32 $0x1770, v9  }
0x1c8: {  	v53 =	vadd.s32 $0x1388, v4;
	v55 =	vld.idx.msk [tilespmem:v50+s18+$0x0], $0xffff;
	[tilespmem:s0+$0xFFFFFFE0] =	vst v43  }
0x1c9: {  	v56 =	vadd.s32 $0x1770, v8;
	v51 =	vld.idx.msk [tilespmem:v45+s18+$0x0], $0xffff;
	[tilespmem:s0+$0x30] =	vst v48  }
0x1ca: {  	v57 =	vadd.s32 $0x1770, v7;
	v17 =	vld.idx.msk [tilespmem:v46+s18+$0x0], $0xffff;
	[tilespmem:s0+$0x40] =	vst v21  }
0x1cb: {  	v54 =	vadd.s32 $0x1388, v2;
	v16 =	vld.idx.msk [tilespmem:v52+s18+$0x0], $0xffff;
	[tilespmem:s0+$0xF0] =	vst v10  }
0x1cc: {  	v10 =	vadd.s32 $0x1388, v3;
	[tilespmem:s0+$0x90] =	vst v19;
	v11 =	vld.idx.msk [tilespmem:v11+s18+$0x0], $0xffff  }
0x1cd: {  	v9 =	vadd.s32 $0x1B58, v9;
	v18 =	vld.idx.msk [tilespmem:v53+s18+$0x0], $0xffff;
	[tilespmem:s0+$0x80] =	vst v13  }
0x1ce: {  	v58 =	vadd.s32 $0x1770, v6;
	[tilespmem:s0+$0xA0] =	vst v55;
	v14 =	vld.idx.msk [tilespmem:v56+s18+$0x0], $0xffff  }
0x1cf: {  	v59 =	vadd.s32 $0x1770, v5;
	v15 =	vld.idx.msk [tilespmem:v57+s18+$0x0], $0xffff;
	[tilespmem:s0+$0x60] =	vst v17  }
0x1d0: {  	v8 =	vadd.s32 $0x1B58, v8;
	[tilespmem:s0+$0x50] =	vst v51;
	v20 =	vld.idx.msk [tilespmem:v54+s18+$0x0], $0xffff  }
0x1d1: {  	v10 =	vld.idx.msk [tilespmem:v10+s18+$0x0], $0xffff;
	[tilespmem:s0+$0x170] =	vst v11;
	v11 =	vadd.s32 $0x1770, v4  }
0x1d2: {  	v60 =	vadd.s32 $0x1770, v3;
	[tilespmem:s0+$0xB0] =	vst v16;
	v9 =	vld.idx.msk [tilespmem:v9+s18+$0x0], $0xffff  }
0x1d3: {  	v61 =	vadd.s32 $0x1770, v2;
	v62 =	vld.idx.msk [tilespmem:v58+s18+$0x0], $0xffff;
	[tilespmem:s0+$0xC0] =	vst v18  }
0x1d4: {  	v7 =	vadd.s32 $0x1B58, v7;
	v63 =	vld.idx.msk [tilespmem:v59+s18+$0x0], $0xffff;
	[tilespmem:s0+$0x100] =	vst v14  }
0x1d5: {  	v5 =	vadd.s32 $0x1B58, v5;
	v14 =	vld.idx.msk [tilespmem:v8+s18+$0x0], $0xffff;
	[tilespmem:s0+$0xE0] =	vst v20  }
0x1d6: {  	[tilespmem:s0+$0xD0] =	vst v10;
	v10 =	vadd.s32 $0x1B58, v6;
	v11 =	vld.idx.msk [tilespmem:v11+s18+$0x0], $0xffff  }
0x1d7: {  	v13 =	vld.idx.msk [tilespmem:v60+s18+$0x0], $0xffff;
	[tilespmem:s0+$0x1F0] =	vst v9;
	v9 =	vadd.s32 $0x1B58, v4  }
0x1d8: {  	v3 =	vadd.s32 $0x1B58, v3;
	[tilespmem:s0+$0x110] =	vst v15;
	v12 =	vld.idx.msk [tilespmem:v61+s18+$0x0], $0xffff  }
0x1d9: {  	v2 =	vadd.s32 $0x1B58, v2;
	v6 =	vld.idx.msk [tilespmem:v7+s18+$0x0], $0xffff;
	[tilespmem:s0+$0x130] =	vst v63  }
0x1da: {  	[tilespmem:s0+$0x120] =	vst v62;
	v4 =	vld.idx.msk [tilespmem:v5+s18+$0x0], $0xffff  }
0x1db: {  	v7 =	vld.idx.msk [tilespmem:v10+s18+$0x0], $0xffff;
	[tilespmem:s0+$0x140] =	vst v11  }
0x1dc: {  	[tilespmem:s0+$0x150] =	vst v13;
	v8 =	vld.idx.msk [tilespmem:v9+s18+$0x0], $0xffff  }
0x1dd: {  	[tilespmem:s0+$0x160] =	vst v12;
	v5 =	vld.idx.msk [tilespmem:v3+s18+$0x0], $0xffff  }
0x1de: {  	s1 =	simm.s32 $0x0;
	s6 =	simm.s32 $0xC0;
	[tilespmem:s0+$0x180] =	vst v14;
	v3 =	vld.idx.msk [tilespmem:v2+s18+$0x0], $0xffff  }
.LBB2_8:
0x1df: {  	v2 =	vld [tilespmem:s6+$0x30];
	s1 =	sadd.s32 $0x8, s1;
	[tilespmem:s0+$0x190] =	vst v6  }
0x1e0: {  	v9 =	vld [tilespmem:s6+$0xFFFFFFD0];
	p0 =	slt.u32 s1, $0x60;
	[tilespmem:s0+$0x1A0] =	vst v7  }
0x1e1: {  	v7 =	vld [tilespmem:s6+$0xFFFFFFE0];
	[tilespmem:s0+$0x1B0] =	vst v4  }
0x1e2: {  	v4 =	vld [tilespmem:s6+$0xFFFFFFF0];
	[tilespmem:s0+$0x1C0] =	vst v8  }
0x1e3: {  	v8 =	vld [tilespmem:s6+$0x0];
	[tilespmem:s0+$0x1D0] =	vst v5  }
0x1e4: {  	v5 =	vld [tilespmem:s6+$0x10];
	[tilespmem:s0+$0x1E0] =	vst v3  }
0x1e5: {  	v3 =	vadd.s32 $0x3E8, v9;
	v23 =	vadd.s32 $0x7D0, v9;
	v24 =	vadd.s32 $0xBB8, v9;
	v25 =	vld [tilespmem:s6+$0x20]  }
0x1e6: {  	v6 =	vld [tilespmem:s6+$0xFFFFFFC0];
	v10 =	vadd.s32 $0x3E8, v7;
	v26 =	vadd.s32 $0x7D0, v7;
	v27 =	vadd.s32 $0xBB8, v7  }
0x1e7: {  	v11 =	vadd.s32 $0x3E8, v4;
	v28 =	vadd.s32 $0x7D0, v4;
	v29 =	vadd.s32 $0xBB8, v4;
	v12 =	vld.idx.msk [tilespmem:v2+s18+$0x0], $0xffff  }
0x1e8: {  	v13 =	vld.idx.msk [tilespmem:v9+s18+$0x0], $0xffff;
	v14 =	vadd.s32 $0x3E8, v8;
	v30 =	vadd.s32 $0x7D0, v8;
	v31 =	vadd.s32 $0xBB8, v8  }
0x1e9: {  	v16 =	vadd.s32 $0x3E8, v2;
	v15 =	vld.idx.msk [tilespmem:v7+s18+$0x0], $0xffff;
	v32 =	vadd.s32 $0x3E8, v5;
	v33 =	vadd.s32 $0x7D0, v5  }
0x1ea: {  	v34 =	vadd.s32 $0xBB8, v5;
	v18 =	vld.idx.msk [tilespmem:v4+s18+$0x0], $0xffff;
	v35 =	vadd.s32 $0x3E8, v25;
	v36 =	vadd.s32 $0x7D0, v25  }
0x1eb: {  	v37 =	vadd.s32 $0x3E8, v6;
	v38 =	vadd.s32 $0x7D0, v6;
	v39 =	vadd.s32 $0xBB8, v6;
	v22 =	vld.idx.msk [tilespmem:v8+s18+$0x0], $0xffff  }
0x1ec: {  	s0 =	sadd.s32 $0x400, s0;
	v41 =	vadd.s32 $0xFA0, v9;
	v43 =	vadd.s32 $0xBB8, v25;
	v40 =	vadd.s32 $0xFA0, v6;
	v42 =	vld.idx.msk [tilespmem:v5+s18+$0x0], $0xffff  }
0x1ed: {  	v44 =	vadd.s32 $0xFA0, v7;
	v45 =	vadd.s32 $0xFA0, v4;
	v46 =	vadd.s32 $0xFA0, v8;
	v47 =	vld.idx.msk [tilespmem:v25+s18+$0x0], $0xffff;
	[tilespmem:s0+$0xFFFFFE70] =	vst v12  }
0x1ee: {  	v48 =	vadd.s32 $0xFA0, v5;
	v49 =	vadd.s32 $0xFA0, v25;
	v17 =	vadd.s32 $0x1388, v6;
	[tilespmem:s0+$0xFFFFFE10] =	vst v13;
	v50 =	vld.idx.msk [tilespmem:v16+s18+$0x0], $0xffff  }
0x1ef: {  	v52 =	vadd.s32 $0x1388, v9;
	v21 =	vadd.s32 $0x1388, v7;
	v19 =	vadd.s32 $0x1388, v4;
	v51 =	vld.idx.msk [tilespmem:v6+s18+$0x0], $0xffff;
	[tilespmem:s0+$0xFFFFFE20] =	vst v15  }
0x1f0: {  	v54 =	vadd.s32 $0x7D0, v2;
	v20 =	vadd.s32 $0x1388, v8;
	v53 =	vld.idx.msk [tilespmem:v3+s18+$0x0], $0xffff;
	[tilespmem:s0+$0xFFFFFE30] =	vst v18;
	v18 =	vadd.s32 $0x1388, v5  }
0x1f1: {  	v12 =	vadd.s32 $0x1770, v9;
	v15 =	vadd.s32 $0x1770, v6;
	v55 =	vld.idx.msk [tilespmem:v10+s18+$0x0], $0xffff;
	[tilespmem:s0+$0xFFFFFE40] =	vst v22;
	v22 =	vadd.s32 $0x1388, v25  }
0x1f2: {  	v16 =	vadd.s32 $0x1770, v7;
	v13 =	vadd.s32 $0x1770, v4;
	v10 =	vadd.s32 $0x1770, v8;
	v56 =	vld.idx.msk [tilespmem:v11+s18+$0x0], $0xffff;
	[tilespmem:s0+$0xFFFFFE50] =	vst v42  }
0x1f3: {  	v6 =	vadd.s32 $0x1B58, v6;
	v11 =	vadd.s32 $0x1770, v25;
	v42 =	vld.idx.msk [tilespmem:v14+s18+$0x0], $0xffff;
	v14 =	vadd.s32 $0x1770, v5;
	[tilespmem:s0+$0xFFFFFE60] =	vst v47  }
0x1f4: {  	v9 =	vadd.s32 $0x1B58, v9;
	v7 =	vadd.s32 $0x1B58, v7;
	v4 =	vadd.s32 $0x1B58, v4;
	v32 =	vld.idx.msk [tilespmem:v32+s18+$0x0], $0xffff;
	[tilespmem:s0+$0xFFFFFEF0] =	vst v50  }
0x1f5: {  	v3 =	vadd.s32 $0x1B58, v25;
	v8 =	vadd.s32 $0x1B58, v8;
	v5 =	vadd.s32 $0x1B58, v5;
	[tilespmem:s0+$0xFFFFFE00] =	vst v51;
	v25 =	vld.idx.msk [tilespmem:v54+s18+$0x0], $0xffff  }
0x1f6: {  	v37 =	vld.idx.msk [tilespmem:v37+s18+$0x0], $0xffff;
	[tilespmem:s0+$0xFFFFFE90] =	vst v53  }
0x1f7: {  	v47 =	vadd.s32 $0xBB8, v2;
	[tilespmem:s0+$0xFFFFFEA0] =	vst v55;
	v35 =	vld.idx.msk [tilespmem:v35+s18+$0x0], $0xffff  }
0x1f8: {  	v23 =	vld.idx.msk [tilespmem:v23+s18+$0x0], $0xffff;
	[tilespmem:s0+$0xFFFFFEB0] =	vst v56  }
0x1f9: {  	v26 =	vld.idx.msk [tilespmem:v26+s18+$0x0], $0xffff;
	[tilespmem:s0+$0xFFFFFEC0] =	vst v42  }
0x1fa: {  	v28 =	vld.idx.msk [tilespmem:v28+s18+$0x0], $0xffff;
	[tilespmem:s0+$0xFFFFFED0] =	vst v32  }
0x1fb: {  	v30 =	vld.idx.msk [tilespmem:v30+s18+$0x0], $0xffff;
	[tilespmem:s0+$0xFFFFFF70] =	vst v25  }
0x1fc: {  	[tilespmem:s0+$0xFFFFFE80] =	vst v37;
	v25 =	vld.idx.msk [tilespmem:v47+s18+$0x0], $0xffff  }
0x1fd: {  	v32 =	vld.idx.msk [tilespmem:v38+s18+$0x0], $0xffff;
	[tilespmem:s0+$0xFFFFFEE0] =	vst v35  }
0x1fe: {  	[tilespmem:s0+$0xFFFFFF10] =	vst v23;
	v23 =	vld.idx.msk [tilespmem:v33+s18+$0x0], $0xffff;
	v33 =	vadd.s32 $0xFA0, v2  }
0x1ff: {  	[tilespmem:s0+$0xFFFFFF20] =	vst v26;
	v26 =	vld.idx.msk [tilespmem:v36+s18+$0x0], $0xffff  }
0x200: {  	v24 =	vld.idx.msk [tilespmem:v24+s18+$0x0], $0xffff;
	[tilespmem:s0+$0xFFFFFF30] =	vst v28  }
0x201: {  	v27 =	vld.idx.msk [tilespmem:v27+s18+$0x0], $0xffff;
	[tilespmem:s0+$0xFFFFFF40] =	vst v30  }
0x202: {  	v28 =	vld.idx.msk [tilespmem:v29+s18+$0x0], $0xffff;
	[tilespmem:s0+$0xFFFFFFF0] =	vst v25  }
0x203: {  	[tilespmem:s0+$0xFFFFFF00] =	vst v32;
	v25 =	vld.idx.msk [tilespmem:v33+s18+$0x0], $0xffff  }
0x204: {  	v29 =	vld.idx.msk [tilespmem:v39+s18+$0x0], $0xffff;
	[tilespmem:s0+$0xFFFFFF50] =	vst v23  }
0x205: {  	v23 =	vld.idx.msk [tilespmem:v31+s18+$0x0], $0xffff;
	[tilespmem:s0+$0xFFFFFF60] =	vst v26;
	v26 =	vadd.s32 $0x1388, v2  }
0x206: {  	[tilespmem:s0+$0xFFFFFF90] =	vst v24;
	v24 =	vld.idx.msk [tilespmem:v34+s18+$0x0], $0xffff  }
0x207: {  	[tilespmem:s0+$0xFFFFFFA0] =	vst v27;
	v27 =	vld.idx.msk [tilespmem:v43+s18+$0x0], $0xffff  }
0x208: {  	v30 =	vld.idx.msk [tilespmem:v41+s18+$0x0], $0xffff;
	[tilespmem:s0+$0xFFFFFFB0] =	vst v28  }
0x209: {  	v28 =	vld.idx.msk [tilespmem:v44+s18+$0x0], $0xffff;
	[tilespmem:s0+$0x70] =	vst v25  }
0x20a: {  	[tilespmem:s0+$0xFFFFFF80] =	vst v29;
	v25 =	vld.idx.msk [tilespmem:v26+s18+$0x0], $0xffff  }
0x20b: {  	v26 =	vld.idx.msk [tilespmem:v40+s18+$0x0], $0xffff;
	[tilespmem:s0+$0xFFFFFFC0] =	vst v23  }
0x20c: {  	v23 =	vld.idx.msk [tilespmem:v45+s18+$0x0], $0xffff;
	[tilespmem:s0+$0xFFFFFFD0] =	vst v24;
	v24 =	vadd.s32 $0x1770, v2  }
0x20d: {  	v29 =	vld.idx.msk [tilespmem:v46+s18+$0x0], $0xffff;
	[tilespmem:s0+$0xFFFFFFE0] =	vst v27  }
0x20e: {  	[tilespmem:s0+$0x10] =	vst v30;
	v27 =	vld.idx.msk [tilespmem:v48+s18+$0x0], $0xffff  }
0x20f: {  	[tilespmem:s0+$0x20] =	vst v28;
	v28 =	vld.idx.msk [tilespmem:v49+s18+$0x0], $0xffff  }
0x210: {  	v30 =	vld.idx.msk [tilespmem:v52+s18+$0x0], $0xffff;
	[tilespmem:s0+$0xF0] =	vst v25  }
0x211: {  	[tilespmem:s0+$0x0] =	vst v26;
	v24 =	vld.idx.msk [tilespmem:v24+s18+$0x0], $0xffff  }
0x212: {  	v17 =	vld.idx.msk [tilespmem:v17+s18+$0x0], $0xffff;
	[tilespmem:s0+$0x30] =	vst v23  }
0x213: {  	v2 =	vadd.s32 $0x1B58, v2;
	v21 =	vld.idx.msk [tilespmem:v21+s18+$0x0], $0xffff;
	[tilespmem:s0+$0x40] =	vst v29  }
0x214: {  	v19 =	vld.idx.msk [tilespmem:v19+s18+$0x0], $0xffff;
	[tilespmem:s0+$0x50] =	vst v27  }
0x215: {  	v20 =	vld.idx.msk [tilespmem:v20+s18+$0x0], $0xffff;
	[tilespmem:s0+$0x60] =	vst v28  }
0x216: {  	[tilespmem:s0+$0x90] =	vst v30;
	v18 =	vld.idx.msk [tilespmem:v18+s18+$0x0], $0xffff  }
0x217: {  	v22 =	vld.idx.msk [tilespmem:v22+s18+$0x0], $0xffff;
	[tilespmem:s0+$0x170] =	vst v24  }
0x218: {  	[tilespmem:s0+$0x80] =	vst v17;
	v2 =	vld.idx.msk [tilespmem:v2+s18+$0x0], $0xffff  }
0x219: {  	v15 =	vld.idx.msk [tilespmem:v15+s18+$0x0], $0xffff;
	[tilespmem:s0+$0xA0] =	vst v21  }
0x21a: {  	v12 =	vld.idx.msk [tilespmem:v12+s18+$0x0], $0xffff;
	[tilespmem:s0+$0xB0] =	vst v19  }
0x21b: {  	v16 =	vld.idx.msk [tilespmem:v16+s18+$0x0], $0xffff;
	[tilespmem:s0+$0xC0] =	vst v20  }
0x21c: {  	v13 =	vld.idx.msk [tilespmem:v13+s18+$0x0], $0xffff;
	[tilespmem:s0+$0xD0] =	vst v18  }
0x21d: {  	v10 =	vld.idx.msk [tilespmem:v10+s18+$0x0], $0xffff;
	[tilespmem:s0+$0xE0] =	vst v22  }
0x21e: {  	v14 =	vld.idx.msk [tilespmem:v14+s18+$0x0], $0xffff;
	[tilespmem:s0+$0x1F0] =	vst v2  }
0x21f: {  	[tilespmem:s0+$0x100] =	vst v15;
	v2 =	vld.idx.msk [tilespmem:v11+s18+$0x0], $0xffff  }
0x220: {  	v11 =	vld.idx.msk [tilespmem:v6+s18+$0x0], $0xffff;
	[tilespmem:s0+$0x110] =	vst v12  }
0x221: {  	v6 =	vld.idx.msk [tilespmem:v9+s18+$0x0], $0xffff;
	[tilespmem:s0+$0x120] =	vst v16  }
.Ltmp3:
0x222: {  	v7 =	vld.idx.msk [tilespmem:v7+s18+$0x0], $0xffff;
	[tilespmem:s0+$0x130] =	vst v13;
	(pc) =	sbr.rel @p0 .LBB2_8-.Ltmp3, $4  }
0x223: {  	v4 =	vld.idx.msk [tilespmem:v4+s18+$0x0], $0xffff;
	[tilespmem:s0+$0x140] =	vst v10  }
0x224: {  	v8 =	vld.idx.msk [tilespmem:v8+s18+$0x0], $0xffff;
	[tilespmem:s0+$0x150] =	vst v14  }
0x225: {  	v5 =	vld.idx.msk [tilespmem:v5+s18+$0x0], $0xffff;
	[tilespmem:s0+$0x160] =	vst v2  }
0x226: {  	s6 =	sadd.s32 $0x80, s6;
	[tilespmem:s0+$0x180] =	vst v11;
	v3 =	vld.idx.msk [tilespmem:v3+s18+$0x0], $0xffff  }
0x227: {  	[tilespmem:s0+$0x190] =	vst v6  }
0x228: {  	[tilespmem:s0+$0x1A0] =	vst v7  }
0x229: {  	[tilespmem:s0+$0x1B0] =	vst v4  }
0x22a: {  	[tilespmem:s0+$0x1C0] =	vst v8  }
0x22b: {  	[tilespmem:s0+$0x1D0] =	vst v5  }
0x22c: {  	[tilespmem:s0+$0x1E0] =	vst v3  }
0x22d: {  	[hbm4b:s11+s3] =	stream.linear.scatter [tilespmem:s24], [sflag:$0x3], $0x3400, $0x38;
	[tilespmem:$0x12B80] =	vst v63  }
0x22e: {  	_ =	swait.ge [sflag:s29], $0x3400  }
0x22f: {  	[sflag:s29] =	ssyncset.done $0x0  }
0x230: {  	[sflag:s29] =	ssyncadd.s32 $0xFFFFCC00  }
0x231: {  	s31 =	sadd.s32 $0x1, s31;
	_ =	swait.ge [sflag:s28], $0x3400  }
0x232: {  	p0 =	sne.s32 s31, s13;
	[sflag:s28] =	ssyncset.done $0x0  }
.Ltmp4:
0x233: {  	s30 =	simm.s32 $0x12B00;
	[sflag:s28] =	ssyncadd.s32 $0xFFFFCC00;
	(pc) =	sbr.rel @p0 .LBB2_1-.Ltmp4, $4  }
0x234: {  	[hbm4b:s12+s3] =	stream.linear.scatter [tilespmem:s30], [sflag:$0x7], $0x80, $0x38;
	[tilespmem:$0x12B80] =	vst v63  }
0x235: {  	_ =	swait.ge [sflag:s14], $0x80  }
0x236: {  	[sflag:s14] =	ssyncset.done $0x0  }
0x237: {  	[sflag:s14] =	ssyncadd.s32 $0xFFFFFF80  }
0x238: {  	_ =	sfence.sel $0x180000  }
0x239: {  	[bflag:$0x0] =	sbarrier.arrive $0xFFFF  }
0x23a: {  	_ =	strace $0x90000047  }
0x23b: {  	s0 =	stileid.u32;
	[bflag:$0x2] =	sbarrier.arrive $0xFFFF  }
0x23c: {  	p0 =	sne.s32 s0, $0x0;
	s0 =	rddreg [dreg:$0x2]  }
0x23d: {  	s0 =	sadd.s32 @!p0 $0x100000, s0  }
0x23e: {  	[sflag:s0] =	ssyncadd.tile.s32 @!p0 $0x1;
	_ =	shalt  }
.Lfunc_end2:
_tile_overlayer_lowered:
.L_overlay_start_2:
0x23f: {  	(tag) =	ssettag $0x2  }
0x240: {  	s0 =	rddreg [dreg:$0x0];
	s2 =	stileid.u32  }
0x241: {  	s1 =	rddreg [dreg:$0x1];
	p0 =	sne.s32 s2, $0x0  }
0x242: {  	s3 =	rddreg [dreg:$0x2];
	[bflag:$0x3] =	sbarrier.arrive $0xFFFF;
	s2 =	simm.s32 @!p0 $0x1C07  }
0x243: {  	[timem:s3], [sflag:s2] =	dma.local @!p0 [hbm:s0], s1  }
0x244: {  	s0 =	simm.s32 @!p0 $0x7  }
0x245: {  	_ =	swait.ge @!p0 [sflag:s0], s1  }
0x246: {  	s1 =	ssub.s32 @!p0 $0x0, s1;
	[sflag:s0] =	ssyncset.done @!p0 $0x0  }
0x247: {  	[sflag:s0] =	ssyncadd.s32 @!p0 s1  }
0x248: {  	[bflag:$0x3] =	sbarrier.arrive $0xFFFF  }
0x249: {  	_ =	shalt  }

</sc_bundles>
